<compile_context>
chip_gen: v7x
topology: tpu7x:2x2x1
jax: 0.10.2.dev20260603
libtpu: 0.0.44.dev20260713+nightly
codegen_flags: <defaults>
</compile_context>

<pallas_src>
import functools

import jax
import jax.numpy as jnp
from jax import lax
from jax.experimental import pallas as pl
from jax.experimental.pallas import tpu as pltpu
from jax.experimental.pallas import tpu_sc as plsc

_NC = 2
_NS = 16
_LANES = 16
_BB = 8
_VC = 6144


def _tc_retile(table_t):
    D, V = table_t.shape

    nblk = (V // 2 + _VC - 1) // _VC

    def body(lo_ref, hi_ref, o_ref):
        o_ref[:, 0:D] = lo_ref[...].T
        o_ref[:, D:2 * D] = hi_ref[...].T

        @pl.when(pl.program_id(0) == 0)
        def _():
            o_ref[0:1, 0:D] = jnp.zeros((1, D), jnp.float32)

    return pl.pallas_call(
        body,
        out_shape=jax.ShapeDtypeStruct((nblk * _VC, 2 * D), jnp.float32),
        grid=(nblk,),
        in_specs=[
            pl.BlockSpec((D, _VC), lambda i: (0, i)),
            pl.BlockSpec(
                (D, _VC),
                lambda i: (0, jnp.minimum(i + nblk, (V - 1) // _VC))),
        ],
        out_specs=pl.BlockSpec((_VC, 2 * D), lambda i: (i, 0)),
    )(table_t, table_t)


def _sc_segment_sum(table2, x, half):
    V2, D = table2.shape
    nblk_x, blk_len = x.shape
    B = nblk_x * _BB
    L = blk_len // _BB
    nw = _NC * _NS
    n_per = B // nw
    n_blocks = n_per // _BB
    n_chunks = D // _LANES
    idx_vecs = (n_blocks * blk_len) // _LANES
    mesh = plsc.VectorSubcoreMesh(core_axis_name="c", subcore_axis_name="s")

    @functools.partial(
        pl.kernel,
        out_type=jax.ShapeDtypeStruct((B, D), jnp.float32),
        mesh=mesh,
        compiler_params=pltpu.CompilerParams(use_tc_tiling_on_sc=False),
        scratch_types=[
            pltpu.VMEM((n_blocks, blk_len), jnp.int32),
            pltpu.VMEM((2, blk_len, D), jnp.float32),
            pltpu.VMEM((2, _BB, D), jnp.float32),
            pltpu.SemaphoreType.DMA,
            pltpu.SemaphoreType.DMA,
        ],
    )
    def k(table_hbm, x_hbm, out_hbm, idx_v, rows_v, acc_v, sem0, sem1):
        wid = lax.axis_index("s") * _NC + lax.axis_index("c")
        base = wid * n_per
        sems = (sem0, sem1)

        pltpu.sync_copy(x_hbm.at[pl.ds(wid * n_blocks, n_blocks)], idx_v)

        @plsc.parallel_loop(0, n_blocks)
        def _(r):
            for v in range(blk_len // _LANES):
                sl = pl.ds(v * _LANES, _LANES)
                w = idx_v[r, sl]
                w2 = w + w
                idx_v[r, sl] = jnp.where(w < half, w2, w2 - (2 * half - 1))

        def gather(slot, blk):
            return pltpu.make_async_copy(
                table_hbm.at[idx_v.at[blk]],
                rows_v.at[slot], sems[slot])

        def compute(slot, blk):
            @pl.loop(0, _BB)
            def _(i):
                init = tuple(rows_v[slot, i * L, pl.ds(c * _LANES, _LANES)]
                             for c in range(n_chunks))

                @plsc.parallel_loop(1, L, unroll=7, carry=init)
                def accs(r, carry):
                    return tuple(
                        carry[c] + rows_v[slot, i * L + r,
                                          pl.ds(c * _LANES, _LANES)]
                        for c in range(n_chunks))

                for c in range(n_chunks):
                    acc_v[slot, i, pl.ds(c * _LANES, _LANES)] = accs[c]

            pltpu.sync_copy(acc_v.at[slot],
                            out_hbm.at[pl.ds(base + blk * _BB, _BB)])

        gather(0, 0).start()

        @pl.loop(0, n_blocks // 2)
        def _(j):
            blk = j * 2
            gather(1, blk + 1).start()
            gather(0, blk).wait()
            compute(0, blk)

            @pl.when(blk + 2 < n_blocks)
            def _():
                gather(0, blk + 2).start()

            gather(1, blk + 1).wait()
            compute(1, blk + 1)

    return k(table2, x)


def _tc_finish(rawsum, W, b, L):
    B, D = rawsum.shape
    nout = W.shape[0]

    def body(s_ref, w_ref, b_ref, o_ref):
        pooled = s_ref[...] * (1.0 / L)
        o_ref[...] = lax.dot_general(
            pooled, w_ref[...], (((1,), (1,)), ((), ())),
            preferred_element_type=jnp.float32) + b_ref[...]

    tb = 2048
    return pl.pallas_call(
        body,
        out_shape=jax.ShapeDtypeStruct((B, nout), jnp.float32),
        grid=(B // tb,),
        in_specs=[
            pl.BlockSpec((tb, D), lambda i: (i, 0)),
            pl.BlockSpec((nout, D), lambda i: (0, 0)),
            pl.BlockSpec((1, nout), lambda i: (0, 0)),
        ],
        out_specs=pl.BlockSpec((tb, nout), lambda i: (i, 0)),
    )(rawsum, W, b.reshape(1, nout))


def kernel(x, table, W, b):
    B, L = x.shape
    V, D = table.shape
    x = x.astype(jnp.int32)
    conv = _tc_retile(table.T)
    half = conv.shape[0]
    table2 = conv.reshape(2 * half, D)
    rawsum = _sc_segment_sum(table2, x.reshape(B // _BB, _BB * L), half)
    return _tc_finish(rawsum, W, b, L)

# --- scband reference (transcript-rebuilt; emitter-appended) ---
"""Pipeline reference for scband-torch-model-60404420051419 (READ-ONLY COPY).

The authoritative reference and input builder live on the scoring server;
editing this copy changes nothing except your own understanding.
"""

import jax, jax.numpy as jnp
import numpy as np

VOCAB = 1000000
EMBED_DIM = 64
WORD_LEN = 50
BATCH = 16384


def setup_inputs(seed: int = 0) -> dict:
    key = jax.random.key(seed)
    k1, k2, k3, k4 = jax.random.split(key, 4)
    x = jax.random.randint(k1, (BATCH, WORD_LEN), 0, VOCAB)
    table = jax.random.normal(k2, (VOCAB, EMBED_DIM), dtype=jnp.float32)
    W = jax.random.normal(k3, (WORD_LEN, EMBED_DIM), dtype=jnp.float32) * 0.05
    b = jax.random.normal(k4, (WORD_LEN,), dtype=jnp.float32) * 0.05
    return {"x": x, "table": table, "W": W, "b": b}


def reference(x, table, W, b):
    # nn.Embedding with padding_idx=0: row 0 is zeros
    tbl = table.at[0].set(0.0)
    emb = jnp.take(tbl, x, axis=0)            # [B, L, D]  (gather)
    # transpose(1,2) -> [B, D, L]; AvgPool1d(L) -> [B, D, 1]; squeeze -> [B, D]
    pooled = jnp.mean(emb, axis=1)            # [B, D]
    out = pooled @ W.T + b                    # Linear(D -> L): [B, L]
    return out

if __name__ == "__main__":
    import jax
    _d = setup_inputs()
    print(jax.jit(kernel)(*tuple(_d.values())))

</pallas_src>

<mosaic_0001>
#map = affine_map<(d0, d1) -> (0, 0)>
module attributes {stable_mosaic.version = 14 : i64} {
  func.func @k(%arg0: i32, %arg1: i32, %arg2: memref<1007616x64xf32, #tpu.memory_space<hbm>>, %arg3: memref<2048x400xi32, #tpu.memory_space<hbm>>, %arg4: memref<16384x64xf32, #tpu.memory_space<hbm>>, %arg5: memref<64x400xi32, #tpu.memory_space<vmem>>, %arg6: memref<2x400x64xf32, #tpu.memory_space<vmem>>, %arg7: memref<2x8x64xf32, #tpu.memory_space<vmem>>, %arg8: memref<!tpu.dma_semaphore, #tpu.memory_space<semaphore_mem>>, %arg9: memref<!tpu.dma_semaphore, #tpu.memory_space<semaphore_mem>>) attributes {dimension_semantics = [#tpu.dimension_semantics<core_parallel>, #tpu.dimension_semantics<subcore_parallel>], iteration_bounds = array<i64: 2, 16>, scalar_prefetch = 0 : i64, scratch_operands = 5 : i64, tpu.core_type = #tpu.core_type<sc_vector_subcore>, window_params = [{transform_indices = #map}, {transform_indices = #map}, {transform_indices = #map}]} {
    %mul3A = arith.constant 2 : i32
    %mul3A_0 = arith.muli %arg1, %mul3A : i32
    %add3A = arith.addi %mul3A_0, %arg0 : i32
    %mul3A_1 = arith.constant 512 : i32
    %mul3A_2 = arith.muli %add3A, %mul3A_1 : i32
    %mul3A_3 = arith.constant 64 : i32
    %mul3A_4 = arith.muli %add3A, %mul3A_3 : i32
    "tpu.region"() ({
      %run_scoped3A = tpu.sem_alloc : memref<!tpu.dma_semaphore, #tpu.memory_space<semaphore_mem>>
      %dma_start3A_22 = arith.constant 0 : i32
      %dma_start3A_23 = tpu.memref_slice %arg3[%mul3A_4, %dma_start3A_22] : memref<2048x400xi32, #tpu.memory_space<hbm>> -> memref<64x400xi32, #tpu.memory_space<hbm>>
      %dma_start3A_24 = arith.constant 0 : i32
      %dma_start3A_25 = tpu.memref_slice %arg3[%mul3A_4, %dma_start3A_24] : memref<2048x400xi32, #tpu.memory_space<hbm>> -> memref<64x400xi32, #tpu.memory_space<hbm>>
      tpu.enqueue_dma source(%dma_start3A_25 : memref<64x400xi32, #tpu.memory_space<hbm>>) target(%arg5 : memref<64x400xi32, #tpu.memory_space<vmem>>) target_semaphore(%run_scoped3A : memref<!tpu.dma_semaphore, #tpu.memory_space<semaphore_mem>>)
      %dma_wait3A = arith.constant 0 : i32
      %dma_wait3A_26 = tpu.memref_slice %arg3[%mul3A_4, %dma_wait3A] : memref<2048x400xi32, #tpu.memory_space<hbm>> -> memref<64x400xi32, #tpu.memory_space<hbm>>
      %dma_wait3A_27 = arith.constant 0 : i32
      %dma_wait3A_28 = tpu.memref_slice %arg3[%mul3A_4, %dma_wait3A_27] : memref<2048x400xi32, #tpu.memory_space<hbm>> -> memref<64x400xi32, #tpu.memory_space<hbm>>
      tpu.wait_dma2 semaphore(%run_scoped3A : memref<!tpu.dma_semaphore, #tpu.memory_space<semaphore_mem>>) src(%dma_wait3A_28 : memref<64x400xi32, #tpu.memory_space<hbm>>) dst(%arg5 : memref<64x400xi32, #tpu.memory_space<vmem>>)
      tpu.yield
    }) : () -> ()
    %parallel_loop3A = arith.constant 0 : i32
    %parallel_loop3A_5 = arith.constant 64 : i32
    %parallel_loop3A_6 = arith.constant 1 : i32
    scf.for %parallel_loop3A_22 = %parallel_loop3A to %parallel_loop3A_5 step %parallel_loop3A_6  : i32 {
      %parallel_loop3A_23 = arith.index_cast %parallel_loop3A_22 : i32 to index
      %parallel_loop3A_24 = arith.constant 0 : index
      %parallel_loop3A_25 = tpu.vector_load %arg5[%parallel_loop3A_23, %parallel_loop3A_24] {strides = array<i32>} : memref<64x400xi32, #tpu.memory_space<vmem>>, vector<1x16xi32>,
      %parallel_loop3A_26 = vector.shape_cast %parallel_loop3A_25 : vector<1x16xi32> to vector<16xi32>
      %parallel_loop3A_27 = arith.addi %parallel_loop3A_26, %parallel_loop3A_26 : vector<16xi32>
      %parallel_loop3A_28 = arith.constant 503808 : i32
      %parallel_loop3A_29 = vector.broadcast %parallel_loop3A_28 : i32 to vector<16xi32>
      %parallel_loop3A_30 = arith.cmpi slt, %parallel_loop3A_26, %parallel_loop3A_29 : vector<16xi32>
      %parallel_loop3A_31 = arith.constant 1007615 : i32
      %parallel_loop3A_32 = vector.broadcast %parallel_loop3A_31 : i32 to vector<16xi32>
      %parallel_loop3A_33 = arith.subi %parallel_loop3A_27, %parallel_loop3A_32 : vector<16xi32>
      %parallel_loop3A_34 = arith.select %parallel_loop3A_30, %parallel_loop3A_27, %parallel_loop3A_33 : vector<16xi1>, vector<16xi32>
      %parallel_loop3A_35 = arith.index_cast %parallel_loop3A_22 : i32 to index
      %parallel_loop3A_36 = arith.constant 0 : index
      %parallel_loop3A_37 = tpu.vector_load %arg5[%parallel_loop3A_35, %parallel_loop3A_36] {strides = array<i32>} : memref<64x400xi32, #tpu.memory_space<vmem>>, vector<1x16xi32>,
      %parallel_loop3A_38 = vector.shape_cast %parallel_loop3A_37 : vector<1x16xi32> to vector<16xi32>
      %parallel_loop3A_39 = vector.shape_cast %parallel_loop3A_34 : vector<16xi32> to vector<1x16xi32>
      tpu.vector_store %arg5[%parallel_loop3A_35, %parallel_loop3A_36], %parallel_loop3A_39 {strides = array<i32>} : memref<64x400xi32, #tpu.memory_space<vmem>>, vector<1x16xi32>,
      %parallel_loop3A_40 = arith.index_cast %parallel_loop3A_22 : i32 to index
      %parallel_loop3A_41 = arith.constant 16 : index
      %parallel_loop3A_42 = tpu.vector_load %arg5[%parallel_loop3A_40, %parallel_loop3A_41] {strides = array<i32>} : memref<64x400xi32, #tpu.memory_space<vmem>>, vector<1x16xi32>,
      %parallel_loop3A_43 = vector.shape_cast %parallel_loop3A_42 : vector<1x16xi32> to vector<16xi32>
      %parallel_loop3A_44 = arith.addi %parallel_loop3A_43, %parallel_loop3A_43 : vector<16xi32>
      %parallel_loop3A_45 = arith.constant 503808 : i32
      %parallel_loop3A_46 = vector.broadcast %parallel_loop3A_45 : i32 to vector<16xi32>
      %parallel_loop3A_47 = arith.cmpi slt, %parallel_loop3A_43, %parallel_loop3A_46 : vector<16xi32>
      %parallel_loop3A_48 = arith.constant 1007615 : i32
      %parallel_loop3A_49 = vector.broadcast %parallel_loop3A_48 : i32 to vector<16xi32>
      %parallel_loop3A_50 = arith.subi %parallel_loop3A_44, %parallel_loop3A_49 : vector<16xi32>
      %parallel_loop3A_51 = arith.select %parallel_loop3A_47, %parallel_loop3A_44, %parallel_loop3A_50 : vector<16xi1>, vector<16xi32>
      %parallel_loop3A_52 = arith.index_cast %parallel_loop3A_22 : i32 to index
      %parallel_loop3A_53 = arith.constant 16 : index
      %parallel_loop3A_54 = tpu.vector_load %arg5[%parallel_loop3A_52, %parallel_loop3A_53] {strides = array<i32>} : memref<64x400xi32, #tpu.memory_space<vmem>>, vector<1x16xi32>,
      %parallel_loop3A_55 = vector.shape_cast %parallel_loop3A_54 : vector<1x16xi32> to vector<16xi32>
      %parallel_loop3A_56 = vector.shape_cast %parallel_loop3A_51 : vector<16xi32> to vector<1x16xi32>
      tpu.vector_store %arg5[%parallel_loop3A_52, %parallel_loop3A_53], %parallel_loop3A_56 {strides = array<i32>} : memref<64x400xi32, #tpu.memory_space<vmem>>, vector<1x16xi32>,
      %parallel_loop3A_57 = arith.index_cast %parallel_loop3A_22 : i32 to index
      %parallel_loop3A_58 = arith.constant 32 : index
      %parallel_loop3A_59 = tpu.vector_load %arg5[%parallel_loop3A_57, %parallel_loop3A_58] {strides = array<i32>} : memref<64x400xi32, #tpu.memory_space<vmem>>, vector<1x16xi32>,
      %parallel_loop3A_60 = vector.shape_cast %parallel_loop3A_59 : vector<1x16xi32> to vector<16xi32>
      %parallel_loop3A_61 = arith.addi %parallel_loop3A_60, %parallel_loop3A_60 : vector<16xi32>
      %parallel_loop3A_62 = arith.constant 503808 : i32
      %parallel_loop3A_63 = vector.broadcast %parallel_loop3A_62 : i32 to vector<16xi32>
      %parallel_loop3A_64 = arith.cmpi slt, %parallel_loop3A_60, %parallel_loop3A_63 : vector<16xi32>
      %parallel_loop3A_65 = arith.constant 1007615 : i32
      %parallel_loop3A_66 = vector.broadcast %parallel_loop3A_65 : i32 to vector<16xi32>
      %parallel_loop3A_67 = arith.subi %parallel_loop3A_61, %parallel_loop3A_66 : vector<16xi32>
      %parallel_loop3A_68 = arith.select %parallel_loop3A_64, %parallel_loop3A_61, %parallel_loop3A_67 : vector<16xi1>, vector<16xi32>
      %parallel_loop3A_69 = arith.index_cast %parallel_loop3A_22 : i32 to index
      %parallel_loop3A_70 = arith.constant 32 : index
      %parallel_loop3A_71 = tpu.vector_load %arg5[%parallel_loop3A_69, %parallel_loop3A_70] {strides = array<i32>} : memref<64x400xi32, #tpu.memory_space<vmem>>, vector<1x16xi32>,
      %parallel_loop3A_72 = vector.shape_cast %parallel_loop3A_71 : vector<1x16xi32> to vector<16xi32>
      %parallel_loop3A_73 = vector.shape_cast %parallel_loop3A_68 : vector<16xi32> to vector<1x16xi32>
      tpu.vector_store %arg5[%parallel_loop3A_69, %parallel_loop3A_70], %parallel_loop3A_73 {strides = array<i32>} : memref<64x400xi32, #tpu.memory_space<vmem>>, vector<1x16xi32>,
      %parallel_loop3A_74 = arith.index_cast %parallel_loop3A_22 : i32 to index
      %parallel_loop3A_75 = arith.constant 48 : index
      %parallel_loop3A_76 = tpu.vector_load %arg5[%parallel_loop3A_74, %parallel_loop3A_75] {strides = array<i32>} : memref<64x400xi32, #tpu.memory_space<vmem>>, vector<1x16xi32>,
      %parallel_loop3A_77 = vector.shape_cast %parallel_loop3A_76 : vector<1x16xi32> to vector<16xi32>
      %parallel_loop3A_78 = arith.addi %parallel_loop3A_77, %parallel_loop3A_77 : vector<16xi32>
      %parallel_loop3A_79 = arith.constant 503808 : i32
      %parallel_loop3A_80 = vector.broadcast %parallel_loop3A_79 : i32 to vector<16xi32>
      %parallel_loop3A_81 = arith.cmpi slt, %parallel_loop3A_77, %parallel_loop3A_80 : vector<16xi32>
      %parallel_loop3A_82 = arith.constant 1007615 : i32
      %parallel_loop3A_83 = vector.broadcast %parallel_loop3A_82 : i32 to vector<16xi32>
      %parallel_loop3A_84 = arith.subi %parallel_loop3A_78, %parallel_loop3A_83 : vector<16xi32>
      %parallel_loop3A_85 = arith.select %parallel_loop3A_81, %parallel_loop3A_78, %parallel_loop3A_84 : vector<16xi1>, vector<16xi32>
      %parallel_loop3A_86 = arith.index_cast %parallel_loop3A_22 : i32 to index
      %parallel_loop3A_87 = arith.constant 48 : index
      %parallel_loop3A_88 = tpu.vector_load %arg5[%parallel_loop3A_86, %parallel_loop3A_87] {strides = array<i32>} : memref<64x400xi32, #tpu.memory_space<vmem>>, vector<1x16xi32>,
      %parallel_loop3A_89 = vector.shape_cast %parallel_loop3A_88 : vector<1x16xi32> to vector<16xi32>
      %parallel_loop3A_90 = vector.shape_cast %parallel_loop3A_85 : vector<16xi32> to vector<1x16xi32>
      tpu.vector_store %arg5[%parallel_loop3A_86, %parallel_loop3A_87], %parallel_loop3A_90 {strides = array<i32>} : memref<64x400xi32, #tpu.memory_space<vmem>>, vector<1x16xi32>,
      %parallel_loop3A_91 = arith.index_cast %parallel_loop3A_22 : i32 to index
      %parallel_loop3A_92 = arith.constant 64 : index
      %parallel_loop3A_93 = tpu.vector_load %arg5[%parallel_loop3A_91, %parallel_loop3A_92] {strides = array<i32>} : memref<64x400xi32, #tpu.memory_space<vmem>>, vector<1x16xi32>,
      %parallel_loop3A_94 = vector.shape_cast %parallel_loop3A_93 : vector<1x16xi32> to vector<16xi32>
      %parallel_loop3A_95 = arith.addi %parallel_loop3A_94, %parallel_loop3A_94 : vector<16xi32>
      %parallel_loop3A_96 = arith.constant 503808 : i32
      %parallel_loop3A_97 = vector.broadcast %parallel_loop3A_96 : i32 to vector<16xi32>
      %parallel_loop3A_98 = arith.cmpi slt, %parallel_loop3A_94, %parallel_loop3A_97 : vector<16xi32>
      %parallel_loop3A_99 = arith.constant 1007615 : i32
      %parallel_loop3A_100 = vector.broadcast %parallel_loop3A_99 : i32 to vector<16xi32>
      %parallel_loop3A_101 = arith.subi %parallel_loop3A_95, %parallel_loop3A_100 : vector<16xi32>
      %parallel_loop3A_102 = arith.select %parallel_loop3A_98, %parallel_loop3A_95, %parallel_loop3A_101 : vector<16xi1>, vector<16xi32>
      %parallel_loop3A_103 = arith.index_cast %parallel_loop3A_22 : i32 to index
      %parallel_loop3A_104 = arith.constant 64 : index
      %parallel_loop3A_105 = tpu.vector_load %arg5[%parallel_loop3A_103, %parallel_loop3A_104] {strides = array<i32>} : memref<64x400xi32, #tpu.memory_space<vmem>>, vector<1x16xi32>,
      %parallel_loop3A_106 = vector.shape_cast %parallel_loop3A_105 : vector<1x16xi32> to vector<16xi32>
      %parallel_loop3A_107 = vector.shape_cast %parallel_loop3A_102 : vector<16xi32> to vector<1x16xi32>
      tpu.vector_store %arg5[%parallel_loop3A_103, %parallel_loop3A_104], %parallel_loop3A_107 {strides = array<i32>} : memref<64x400xi32, #tpu.memory_space<vmem>>, vector<1x16xi32>,
      %parallel_loop3A_108 = arith.index_cast %parallel_loop3A_22 : i32 to index
      %parallel_loop3A_109 = arith.constant 80 : index
      %parallel_loop3A_110 = tpu.vector_load %arg5[%parallel_loop3A_108, %parallel_loop3A_109] {strides = array<i32>} : memref<64x400xi32, #tpu.memory_space<vmem>>, vector<1x16xi32>,
      %parallel_loop3A_111 = vector.shape_cast %parallel_loop3A_110 : vector<1x16xi32> to vector<16xi32>
      %parallel_loop3A_112 = arith.addi %parallel_loop3A_111, %parallel_loop3A_111 : vector<16xi32>
      %parallel_loop3A_113 = arith.constant 503808 : i32
      %parallel_loop3A_114 = vector.broadcast %parallel_loop3A_113 : i32 to vector<16xi32>
      %parallel_loop3A_115 = arith.cmpi slt, %parallel_loop3A_111, %parallel_loop3A_114 : vector<16xi32>
      %parallel_loop3A_116 = arith.constant 1007615 : i32
      %parallel_loop3A_117 = vector.broadcast %parallel_loop3A_116 : i32 to vector<16xi32>
      %parallel_loop3A_118 = arith.subi %parallel_loop3A_112, %parallel_loop3A_117 : vector<16xi32>
      %parallel_loop3A_119 = arith.select %parallel_loop3A_115, %parallel_loop3A_112, %parallel_loop3A_118 : vector<16xi1>, vector<16xi32>
      %parallel_loop3A_120 = arith.index_cast %parallel_loop3A_22 : i32 to index
      %parallel_loop3A_121 = arith.constant 80 : index
      %parallel_loop3A_122 = tpu.vector_load %arg5[%parallel_loop3A_120, %parallel_loop3A_121] {strides = array<i32>} : memref<64x400xi32, #tpu.memory_space<vmem>>, vector<1x16xi32>,
      %parallel_loop3A_123 = vector.shape_cast %parallel_loop3A_122 : vector<1x16xi32> to vector<16xi32>
      %parallel_loop3A_124 = vector.shape_cast %parallel_loop3A_119 : vector<16xi32> to vector<1x16xi32>
      tpu.vector_store %arg5[%parallel_loop3A_120, %parallel_loop3A_121], %parallel_loop3A_124 {strides = array<i32>} : memref<64x400xi32, #tpu.memory_space<vmem>>, vector<1x16xi32>,
      %parallel_loop3A_125 = arith.index_cast %parallel_loop3A_22 : i32 to index
      %parallel_loop3A_126 = arith.constant 96 : index
      %parallel_loop3A_127 = tpu.vector_load %arg5[%parallel_loop3A_125, %parallel_loop3A_126] {strides = array<i32>} : memref<64x400xi32, #tpu.memory_space<vmem>>, vector<1x16xi32>,
      %parallel_loop3A_128 = vector.shape_cast %parallel_loop3A_127 : vector<1x16xi32> to vector<16xi32>
      %parallel_loop3A_129 = arith.addi %parallel_loop3A_128, %parallel_loop3A_128 : vector<16xi32>
      %parallel_loop3A_130 = arith.constant 503808 : i32
      %parallel_loop3A_131 = vector.broadcast %parallel_loop3A_130 : i32 to vector<16xi32>
      %parallel_loop3A_132 = arith.cmpi slt, %parallel_loop3A_128, %parallel_loop3A_131 : vector<16xi32>
      %parallel_loop3A_133 = arith.constant 1007615 : i32
      %parallel_loop3A_134 = vector.broadcast %parallel_loop3A_133 : i32 to vector<16xi32>
      %parallel_loop3A_135 = arith.subi %parallel_loop3A_129, %parallel_loop3A_134 : vector<16xi32>
      %parallel_loop3A_136 = arith.select %parallel_loop3A_132, %parallel_loop3A_129, %parallel_loop3A_135 : vector<16xi1>, vector<16xi32>
      %parallel_loop3A_137 = arith.index_cast %parallel_loop3A_22 : i32 to index
      %parallel_loop3A_138 = arith.constant 96 : index
      %parallel_loop3A_139 = tpu.vector_load %arg5[%parallel_loop3A_137, %parallel_loop3A_138] {strides = array<i32>} : memref<64x400xi32, #tpu.memory_space<vmem>>, vector<1x16xi32>,
      %parallel_loop3A_140 = vector.shape_cast %parallel_loop3A_139 : vector<1x16xi32> to vector<16xi32>
      %parallel_loop3A_141 = vector.shape_cast %parallel_loop3A_136 : vector<16xi32> to vector<1x16xi32>
      tpu.vector_store %arg5[%parallel_loop3A_137, %parallel_loop3A_138], %parallel_loop3A_141 {strides = array<i32>} : memref<64x400xi32, #tpu.memory_space<vmem>>, vector<1x16xi32>,
      %parallel_loop3A_142 = arith.index_cast %parallel_loop3A_22 : i32 to index
      %parallel_loop3A_143 = arith.constant 112 : index
      %parallel_loop3A_144 = tpu.vector_load %arg5[%parallel_loop3A_142, %parallel_loop3A_143] {strides = array<i32>} : memref<64x400xi32, #tpu.memory_space<vmem>>, vector<1x16xi32>,
      %parallel_loop3A_145 = vector.shape_cast %parallel_loop3A_144 : vector<1x16xi32> to vector<16xi32>
      %parallel_loop3A_146 = arith.addi %parallel_loop3A_145, %parallel_loop3A_145 : vector<16xi32>
      %parallel_loop3A_147 = arith.constant 503808 : i32
      %parallel_loop3A_148 = vector.broadcast %parallel_loop3A_147 : i32 to vector<16xi32>
      %parallel_loop3A_149 = arith.cmpi slt, %parallel_loop3A_145, %parallel_loop3A_148 : vector<16xi32>
      %parallel_loop3A_150 = arith.constant 1007615 : i32
      %parallel_loop3A_151 = vector.broadcast %parallel_loop3A_150 : i32 to vector<16xi32>
      %parallel_loop3A_152 = arith.subi %parallel_loop3A_146, %parallel_loop3A_151 : vector<16xi32>
      %parallel_loop3A_153 = arith.select %parallel_loop3A_149, %parallel_loop3A_146, %parallel_loop3A_152 : vector<16xi1>, vector<16xi32>
      %parallel_loop3A_154 = arith.index_cast %parallel_loop3A_22 : i32 to index
      %parallel_loop3A_155 = arith.constant 112 : index
      %parallel_loop3A_156 = tpu.vector_load %arg5[%parallel_loop3A_154, %parallel_loop3A_155] {strides = array<i32>} : memref<64x400xi32, #tpu.memory_space<vmem>>, vector<1x16xi32>,
      %parallel_loop3A_157 = vector.shape_cast %parallel_loop3A_156 : vector<1x16xi32> to vector<16xi32>
      %parallel_loop3A_158 = vector.shape_cast %parallel_loop3A_153 : vector<16xi32> to vector<1x16xi32>
      tpu.vector_store %arg5[%parallel_loop3A_154, %parallel_loop3A_155], %parallel_loop3A_158 {strides = array<i32>} : memref<64x400xi32, #tpu.memory_space<vmem>>, vector<1x16xi32>,
      %parallel_loop3A_159 = arith.index_cast %parallel_loop3A_22 : i32 to index
      %parallel_loop3A_160 = arith.constant 128 : index
      %parallel_loop3A_161 = tpu.vector_load %arg5[%parallel_loop3A_159, %parallel_loop3A_160] {strides = array<i32>} : memref<64x400xi32, #tpu.memory_space<vmem>>, vector<1x16xi32>,
      %parallel_loop3A_162 = vector.shape_cast %parallel_loop3A_161 : vector<1x16xi32> to vector<16xi32>
      %parallel_loop3A_163 = arith.addi %parallel_loop3A_162, %parallel_loop3A_162 : vector<16xi32>
      %parallel_loop3A_164 = arith.constant 503808 : i32
      %parallel_loop3A_165 = vector.broadcast %parallel_loop3A_164 : i32 to vector<16xi32>
      %parallel_loop3A_166 = arith.cmpi slt, %parallel_loop3A_162, %parallel_loop3A_165 : vector<16xi32>
      %parallel_loop3A_167 = arith.constant 1007615 : i32
      %parallel_loop3A_168 = vector.broadcast %parallel_loop3A_167 : i32 to vector<16xi32>
      %parallel_loop3A_169 = arith.subi %parallel_loop3A_163, %parallel_loop3A_168 : vector<16xi32>
      %parallel_loop3A_170 = arith.select %parallel_loop3A_166, %parallel_loop3A_163, %parallel_loop3A_169 : vector<16xi1>, vector<16xi32>
      %parallel_loop3A_171 = arith.index_cast %parallel_loop3A_22 : i32 to index
      %parallel_loop3A_172 = arith.constant 128 : index
      %parallel_loop3A_173 = tpu.vector_load %arg5[%parallel_loop3A_171, %parallel_loop3A_172] {strides = array<i32>} : memref<64x400xi32, #tpu.memory_space<vmem>>, vector<1x16xi32>,
      %parallel_loop3A_174 = vector.shape_cast %parallel_loop3A_173 : vector<1x16xi32> to vector<16xi32>
      %parallel_loop3A_175 = vector.shape_cast %parallel_loop3A_170 : vector<16xi32> to vector<1x16xi32>
      tpu.vector_store %arg5[%parallel_loop3A_171, %parallel_loop3A_172], %parallel_loop3A_175 {strides = array<i32>} : memref<64x400xi32, #tpu.memory_space<vmem>>, vector<1x16xi32>,
      %parallel_loop3A_176 = arith.index_cast %parallel_loop3A_22 : i32 to index
      %parallel_loop3A_177 = arith.constant 144 : index
      %parallel_loop3A_178 = tpu.vector_load %arg5[%parallel_loop3A_176, %parallel_loop3A_177] {strides = array<i32>} : memref<64x400xi32, #tpu.memory_space<vmem>>, vector<1x16xi32>,
      %parallel_loop3A_179 = vector.shape_cast %parallel_loop3A_178 : vector<1x16xi32> to vector<16xi32>
      %parallel_loop3A_180 = arith.addi %parallel_loop3A_179, %parallel_loop3A_179 : vector<16xi32>
      %parallel_loop3A_181 = arith.constant 503808 : i32
      %parallel_loop3A_182 = vector.broadcast %parallel_loop3A_181 : i32 to vector<16xi32>
      %parallel_loop3A_183 = arith.cmpi slt, %parallel_loop3A_179, %parallel_loop3A_182 : vector<16xi32>
      %parallel_loop3A_184 = arith.constant 1007615 : i32
      %parallel_loop3A_185 = vector.broadcast %parallel_loop3A_184 : i32 to vector<16xi32>
      %parallel_loop3A_186 = arith.subi %parallel_loop3A_180, %parallel_loop3A_185 : vector<16xi32>
      %parallel_loop3A_187 = arith.select %parallel_loop3A_183, %parallel_loop3A_180, %parallel_loop3A_186 : vector<16xi1>, vector<16xi32>
      %parallel_loop3A_188 = arith.index_cast %parallel_loop3A_22 : i32 to index
      %parallel_loop3A_189 = arith.constant 144 : index
      %parallel_loop3A_190 = tpu.vector_load %arg5[%parallel_loop3A_188, %parallel_loop3A_189] {strides = array<i32>} : memref<64x400xi32, #tpu.memory_space<vmem>>, vector<1x16xi32>,
      %parallel_loop3A_191 = vector.shape_cast %parallel_loop3A_190 : vector<1x16xi32> to vector<16xi32>
      %parallel_loop3A_192 = vector.shape_cast %parallel_loop3A_187 : vector<16xi32> to vector<1x16xi32>
      tpu.vector_store %arg5[%parallel_loop3A_188, %parallel_loop3A_189], %parallel_loop3A_192 {strides = array<i32>} : memref<64x400xi32, #tpu.memory_space<vmem>>, vector<1x16xi32>,
      %parallel_loop3A_193 = arith.index_cast %parallel_loop3A_22 : i32 to index
      %parallel_loop3A_194 = arith.constant 160 : index
      %parallel_loop3A_195 = tpu.vector_load %arg5[%parallel_loop3A_193, %parallel_loop3A_194] {strides = array<i32>} : memref<64x400xi32, #tpu.memory_space<vmem>>, vector<1x16xi32>,
      %parallel_loop3A_196 = vector.shape_cast %parallel_loop3A_195 : vector<1x16xi32> to vector<16xi32>
      %parallel_loop3A_197 = arith.addi %parallel_loop3A_196, %parallel_loop3A_196 : vector<16xi32>
      %parallel_loop3A_198 = arith.constant 503808 : i32
      %parallel_loop3A_199 = vector.broadcast %parallel_loop3A_198 : i32 to vector<16xi32>
      %parallel_loop3A_200 = arith.cmpi slt, %parallel_loop3A_196, %parallel_loop3A_199 : vector<16xi32>
      %parallel_loop3A_201 = arith.constant 1007615 : i32
      %parallel_loop3A_202 = vector.broadcast %parallel_loop3A_201 : i32 to vector<16xi32>
      %parallel_loop3A_203 = arith.subi %parallel_loop3A_197, %parallel_loop3A_202 : vector<16xi32>
      %parallel_loop3A_204 = arith.select %parallel_loop3A_200, %parallel_loop3A_197, %parallel_loop3A_203 : vector<16xi1>, vector<16xi32>
      %parallel_loop3A_205 = arith.index_cast %parallel_loop3A_22 : i32 to index
      %parallel_loop3A_206 = arith.constant 160 : index
      %parallel_loop3A_207 = tpu.vector_load %arg5[%parallel_loop3A_205, %parallel_loop3A_206] {strides = array<i32>} : memref<64x400xi32, #tpu.memory_space<vmem>>, vector<1x16xi32>,
      %parallel_loop3A_208 = vector.shape_cast %parallel_loop3A_207 : vector<1x16xi32> to vector<16xi32>
      %parallel_loop3A_209 = vector.shape_cast %parallel_loop3A_204 : vector<16xi32> to vector<1x16xi32>
      tpu.vector_store %arg5[%parallel_loop3A_205, %parallel_loop3A_206], %parallel_loop3A_209 {strides = array<i32>} : memref<64x400xi32, #tpu.memory_space<vmem>>, vector<1x16xi32>,
      %parallel_loop3A_210 = arith.index_cast %parallel_loop3A_22 : i32 to index
      %parallel_loop3A_211 = arith.constant 176 : index
      %parallel_loop3A_212 = tpu.vector_load %arg5[%parallel_loop3A_210, %parallel_loop3A_211] {strides = array<i32>} : memref<64x400xi32, #tpu.memory_space<vmem>>, vector<1x16xi32>,
      %parallel_loop3A_213 = vector.shape_cast %parallel_loop3A_212 : vector<1x16xi32> to vector<16xi32>
      %parallel_loop3A_214 = arith.addi %parallel_loop3A_213, %parallel_loop3A_213 : vector<16xi32>
      %parallel_loop3A_215 = arith.constant 503808 : i32
      %parallel_loop3A_216 = vector.broadcast %parallel_loop3A_215 : i32 to vector<16xi32>
      %parallel_loop3A_217 = arith.cmpi slt, %parallel_loop3A_213, %parallel_loop3A_216 : vector<16xi32>
      %parallel_loop3A_218 = arith.constant 1007615 : i32
      %parallel_loop3A_219 = vector.broadcast %parallel_loop3A_218 : i32 to vector<16xi32>
      %parallel_loop3A_220 = arith.subi %parallel_loop3A_214, %parallel_loop3A_219 : vector<16xi32>
      %parallel_loop3A_221 = arith.select %parallel_loop3A_217, %parallel_loop3A_214, %parallel_loop3A_220 : vector<16xi1>, vector<16xi32>
      %parallel_loop3A_222 = arith.index_cast %parallel_loop3A_22 : i32 to index
      %parallel_loop3A_223 = arith.constant 176 : index
      %parallel_loop3A_224 = tpu.vector_load %arg5[%parallel_loop3A_222, %parallel_loop3A_223] {strides = array<i32>} : memref<64x400xi32, #tpu.memory_space<vmem>>, vector<1x16xi32>,
      %parallel_loop3A_225 = vector.shape_cast %parallel_loop3A_224 : vector<1x16xi32> to vector<16xi32>
      %parallel_loop3A_226 = vector.shape_cast %parallel_loop3A_221 : vector<16xi32> to vector<1x16xi32>
      tpu.vector_store %arg5[%parallel_loop3A_222, %parallel_loop3A_223], %parallel_loop3A_226 {strides = array<i32>} : memref<64x400xi32, #tpu.memory_space<vmem>>, vector<1x16xi32>,
      %parallel_loop3A_227 = arith.index_cast %parallel_loop3A_22 : i32 to index
      %parallel_loop3A_228 = arith.constant 192 : index
      %parallel_loop3A_229 = tpu.vector_load %arg5[%parallel_loop3A_227, %parallel_loop3A_228] {strides = array<i32>} : memref<64x400xi32, #tpu.memory_space<vmem>>, vector<1x16xi32>,
      %parallel_loop3A_230 = vector.shape_cast %parallel_loop3A_229 : vector<1x16xi32> to vector<16xi32>
      %parallel_loop3A_231 = arith.addi %parallel_loop3A_230, %parallel_loop3A_230 : vector<16xi32>
      %parallel_loop3A_232 = arith.constant 503808 : i32
      %parallel_loop3A_233 = vector.broadcast %parallel_loop3A_232 : i32 to vector<16xi32>
      %parallel_loop3A_234 = arith.cmpi slt, %parallel_loop3A_230, %parallel_loop3A_233 : vector<16xi32>
      %parallel_loop3A_235 = arith.constant 1007615 : i32
      %parallel_loop3A_236 = vector.broadcast %parallel_loop3A_235 : i32 to vector<16xi32>
      %parallel_loop3A_237 = arith.subi %parallel_loop3A_231, %parallel_loop3A_236 : vector<16xi32>
      %parallel_loop3A_238 = arith.select %parallel_loop3A_234, %parallel_loop3A_231, %parallel_loop3A_237 : vector<16xi1>, vector<16xi32>
      %parallel_loop3A_239 = arith.index_cast %parallel_loop3A_22 : i32 to index
      %parallel_loop3A_240 = arith.constant 192 : index
      %parallel_loop3A_241 = tpu.vector_load %arg5[%parallel_loop3A_239, %parallel_loop3A_240] {strides = array<i32>} : memref<64x400xi32, #tpu.memory_space<vmem>>, vector<1x16xi32>,
      %parallel_loop3A_242 = vector.shape_cast %parallel_loop3A_241 : vector<1x16xi32> to vector<16xi32>
      %parallel_loop3A_243 = vector.shape_cast %parallel_loop3A_238 : vector<16xi32> to vector<1x16xi32>
      tpu.vector_store %arg5[%parallel_loop3A_239, %parallel_loop3A_240], %parallel_loop3A_243 {strides = array<i32>} : memref<64x400xi32, #tpu.memory_space<vmem>>, vector<1x16xi32>,
      %parallel_loop3A_244 = arith.index_cast %parallel_loop3A_22 : i32 to index
      %parallel_loop3A_245 = arith.constant 208 : index
      %parallel_loop3A_246 = tpu.vector_load %arg5[%parallel_loop3A_244, %parallel_loop3A_245] {strides = array<i32>} : memref<64x400xi32, #tpu.memory_space<vmem>>, vector<1x16xi32>,
      %parallel_loop3A_247 = vector.shape_cast %parallel_loop3A_246 : vector<1x16xi32> to vector<16xi32>
      %parallel_loop3A_248 = arith.addi %parallel_loop3A_247, %parallel_loop3A_247 : vector<16xi32>
      %parallel_loop3A_249 = arith.constant 503808 : i32
      %parallel_loop3A_250 = vector.broadcast %parallel_loop3A_249 : i32 to vector<16xi32>
      %parallel_loop3A_251 = arith.cmpi slt, %parallel_loop3A_247, %parallel_loop3A_250 : vector<16xi32>
      %parallel_loop3A_252 = arith.constant 1007615 : i32
      %parallel_loop3A_253 = vector.broadcast %parallel_loop3A_252 : i32 to vector<16xi32>
      %parallel_loop3A_254 = arith.subi %parallel_loop3A_248, %parallel_loop3A_253 : vector<16xi32>
      %parallel_loop3A_255 = arith.select %parallel_loop3A_251, %parallel_loop3A_248, %parallel_loop3A_254 : vector<16xi1>, vector<16xi32>
      %parallel_loop3A_256 = arith.index_cast %parallel_loop3A_22 : i32 to index
      %parallel_loop3A_257 = arith.constant 208 : index
      %parallel_loop3A_258 = tpu.vector_load %arg5[%parallel_loop3A_256, %parallel_loop3A_257] {strides = array<i32>} : memref<64x400xi32, #tpu.memory_space<vmem>>, vector<1x16xi32>,
      %parallel_loop3A_259 = vector.shape_cast %parallel_loop3A_258 : vector<1x16xi32> to vector<16xi32>
      %parallel_loop3A_260 = vector.shape_cast %parallel_loop3A_255 : vector<16xi32> to vector<1x16xi32>
      tpu.vector_store %arg5[%parallel_loop3A_256, %parallel_loop3A_257], %parallel_loop3A_260 {strides = array<i32>} : memref<64x400xi32, #tpu.memory_space<vmem>>, vector<1x16xi32>,
      %parallel_loop3A_261 = arith.index_cast %parallel_loop3A_22 : i32 to index
      %parallel_loop3A_262 = arith.constant 224 : index
      %parallel_loop3A_263 = tpu.vector_load %arg5[%parallel_loop3A_261, %parallel_loop3A_262] {strides = array<i32>} : memref<64x400xi32, #tpu.memory_space<vmem>>, vector<1x16xi32>,
      %parallel_loop3A_264 = vector.shape_cast %parallel_loop3A_263 : vector<1x16xi32> to vector<16xi32>
      %parallel_loop3A_265 = arith.addi %parallel_loop3A_264, %parallel_loop3A_264 : vector<16xi32>
      %parallel_loop3A_266 = arith.constant 503808 : i32
      %parallel_loop3A_267 = vector.broadcast %parallel_loop3A_266 : i32 to vector<16xi32>
      %parallel_loop3A_268 = arith.cmpi slt, %parallel_loop3A_264, %parallel_loop3A_267 : vector<16xi32>
      %parallel_loop3A_269 = arith.constant 1007615 : i32
      %parallel_loop3A_270 = vector.broadcast %parallel_loop3A_269 : i32 to vector<16xi32>
      %parallel_loop3A_271 = arith.subi %parallel_loop3A_265, %parallel_loop3A_270 : vector<16xi32>
      %parallel_loop3A_272 = arith.select %parallel_loop3A_268, %parallel_loop3A_265, %parallel_loop3A_271 : vector<16xi1>, vector<16xi32>
      %parallel_loop3A_273 = arith.index_cast %parallel_loop3A_22 : i32 to index
      %parallel_loop3A_274 = arith.constant 224 : index
      %parallel_loop3A_275 = tpu.vector_load %arg5[%parallel_loop3A_273, %parallel_loop3A_274] {strides = array<i32>} : memref<64x400xi32, #tpu.memory_space<vmem>>, vector<1x16xi32>,
      %parallel_loop3A_276 = vector.shape_cast %parallel_loop3A_275 : vector<1x16xi32> to vector<16xi32>
      %parallel_loop3A_277 = vector.shape_cast %parallel_loop3A_272 : vector<16xi32> to vector<1x16xi32>
      tpu.vector_store %arg5[%parallel_loop3A_273, %parallel_loop3A_274], %parallel_loop3A_277 {strides = array<i32>} : memref<64x400xi32, #tpu.memory_space<vmem>>, vector<1x16xi32>,
      %parallel_loop3A_278 = arith.index_cast %parallel_loop3A_22 : i32 to index
      %parallel_loop3A_279 = arith.constant 240 : index
      %parallel_loop3A_280 = tpu.vector_load %arg5[%parallel_loop3A_278, %parallel_loop3A_279] {strides = array<i32>} : memref<64x400xi32, #tpu.memory_space<vmem>>, vector<1x16xi32>,
      %parallel_loop3A_281 = vector.shape_cast %parallel_loop3A_280 : vector<1x16xi32> to vector<16xi32>
      %parallel_loop3A_282 = arith.addi %parallel_loop3A_281, %parallel_loop3A_281 : vector<16xi32>
      %parallel_loop3A_283 = arith.constant 503808 : i32
      %parallel_loop3A_284 = vector.broadcast %parallel_loop3A_283 : i32 to vector<16xi32>
      %parallel_loop3A_285 = arith.cmpi slt, %parallel_loop3A_281, %parallel_loop3A_284 : vector<16xi32>
      %parallel_loop3A_286 = arith.constant 1007615 : i32
      %parallel_loop3A_287 = vector.broadcast %parallel_loop3A_286 : i32 to vector<16xi32>
      %parallel_loop3A_288 = arith.subi %parallel_loop3A_282, %parallel_loop3A_287 : vector<16xi32>
      %parallel_loop3A_289 = arith.select %parallel_loop3A_285, %parallel_loop3A_282, %parallel_loop3A_288 : vector<16xi1>, vector<16xi32>
      %parallel_loop3A_290 = arith.index_cast %parallel_loop3A_22 : i32 to index
      %parallel_loop3A_291 = arith.constant 240 : index
      %parallel_loop3A_292 = tpu.vector_load %arg5[%parallel_loop3A_290, %parallel_loop3A_291] {strides = array<i32>} : memref<64x400xi32, #tpu.memory_space<vmem>>, vector<1x16xi32>,
      %parallel_loop3A_293 = vector.shape_cast %parallel_loop3A_292 : vector<1x16xi32> to vector<16xi32>
      %parallel_loop3A_294 = vector.shape_cast %parallel_loop3A_289 : vector<16xi32> to vector<1x16xi32>
      tpu.vector_store %arg5[%parallel_loop3A_290, %parallel_loop3A_291], %parallel_loop3A_294 {strides = array<i32>} : memref<64x400xi32, #tpu.memory_space<vmem>>, vector<1x16xi32>,
      %parallel_loop3A_295 = arith.index_cast %parallel_loop3A_22 : i32 to index
      %parallel_loop3A_296 = arith.constant 256 : index
      %parallel_loop3A_297 = tpu.vector_load %arg5[%parallel_loop3A_295, %parallel_loop3A_296] {strides = array<i32>} : memref<64x400xi32, #tpu.memory_space<vmem>>, vector<1x16xi32>,
      %parallel_loop3A_298 = vector.shape_cast %parallel_loop3A_297 : vector<1x16xi32> to vector<16xi32>
      %parallel_loop3A_299 = arith.addi %parallel_loop3A_298, %parallel_loop3A_298 : vector<16xi32>
      %parallel_loop3A_300 = arith.constant 503808 : i32
      %parallel_loop3A_301 = vector.broadcast %parallel_loop3A_300 : i32 to vector<16xi32>
      %parallel_loop3A_302 = arith.cmpi slt, %parallel_loop3A_298, %parallel_loop3A_301 : vector<16xi32>
      %parallel_loop3A_303 = arith.constant 1007615 : i32
      %parallel_loop3A_304 = vector.broadcast %parallel_loop3A_303 : i32 to vector<16xi32>
      %parallel_loop3A_305 = arith.subi %parallel_loop3A_299, %parallel_loop3A_304 : vector<16xi32>
      %parallel_loop3A_306 = arith.select %parallel_loop3A_302, %parallel_loop3A_299, %parallel_loop3A_305 : vector<16xi1>, vector<16xi32>
      %parallel_loop3A_307 = arith.index_cast %parallel_loop3A_22 : i32 to index
      %parallel_loop3A_308 = arith.constant 256 : index
      %parallel_loop3A_309 = tpu.vector_load %arg5[%parallel_loop3A_307, %parallel_loop3A_308] {strides = array<i32>} : memref<64x400xi32, #tpu.memory_space<vmem>>, vector<1x16xi32>,
      %parallel_loop3A_310 = vector.shape_cast %parallel_loop3A_309 : vector<1x16xi32> to vector<16xi32>
      %parallel_loop3A_311 = vector.shape_cast %parallel_loop3A_306 : vector<16xi32> to vector<1x16xi32>
      tpu.vector_store %arg5[%parallel_loop3A_307, %parallel_loop3A_308], %parallel_loop3A_311 {strides = array<i32>} : memref<64x400xi32, #tpu.memory_space<vmem>>, vector<1x16xi32>,
      %parallel_loop3A_312 = arith.index_cast %parallel_loop3A_22 : i32 to index
      %parallel_loop3A_313 = arith.constant 272 : index
      %parallel_loop3A_314 = tpu.vector_load %arg5[%parallel_loop3A_312, %parallel_loop3A_313] {strides = array<i32>} : memref<64x400xi32, #tpu.memory_space<vmem>>, vector<1x16xi32>,
      %parallel_loop3A_315 = vector.shape_cast %parallel_loop3A_314 : vector<1x16xi32> to vector<16xi32>
      %parallel_loop3A_316 = arith.addi %parallel_loop3A_315, %parallel_loop3A_315 : vector<16xi32>
      %parallel_loop3A_317 = arith.constant 503808 : i32
      %parallel_loop3A_318 = vector.broadcast %parallel_loop3A_317 : i32 to vector<16xi32>
      %parallel_loop3A_319 = arith.cmpi slt, %parallel_loop3A_315, %parallel_loop3A_318 : vector<16xi32>
      %parallel_loop3A_320 = arith.constant 1007615 : i32
      %parallel_loop3A_321 = vector.broadcast %parallel_loop3A_320 : i32 to vector<16xi32>
      %parallel_loop3A_322 = arith.subi %parallel_loop3A_316, %parallel_loop3A_321 : vector<16xi32>
      %parallel_loop3A_323 = arith.select %parallel_loop3A_319, %parallel_loop3A_316, %parallel_loop3A_322 : vector<16xi1>, vector<16xi32>
      %parallel_loop3A_324 = arith.index_cast %parallel_loop3A_22 : i32 to index
      %parallel_loop3A_325 = arith.constant 272 : index
      %parallel_loop3A_326 = tpu.vector_load %arg5[%parallel_loop3A_324, %parallel_loop3A_325] {strides = array<i32>} : memref<64x400xi32, #tpu.memory_space<vmem>>, vector<1x16xi32>,
      %parallel_loop3A_327 = vector.shape_cast %parallel_loop3A_326 : vector<1x16xi32> to vector<16xi32>
      %parallel_loop3A_328 = vector.shape_cast %parallel_loop3A_323 : vector<16xi32> to vector<1x16xi32>
      tpu.vector_store %arg5[%parallel_loop3A_324, %parallel_loop3A_325], %parallel_loop3A_328 {strides = array<i32>} : memref<64x400xi32, #tpu.memory_space<vmem>>, vector<1x16xi32>,
      %parallel_loop3A_329 = arith.index_cast %parallel_loop3A_22 : i32 to index
      %parallel_loop3A_330 = arith.constant 288 : index
      %parallel_loop3A_331 = tpu.vector_load %arg5[%parallel_loop3A_329, %parallel_loop3A_330] {strides = array<i32>} : memref<64x400xi32, #tpu.memory_space<vmem>>, vector<1x16xi32>,
      %parallel_loop3A_332 = vector.shape_cast %parallel_loop3A_331 : vector<1x16xi32> to vector<16xi32>
      %parallel_loop3A_333 = arith.addi %parallel_loop3A_332, %parallel_loop3A_332 : vector<16xi32>
      %parallel_loop3A_334 = arith.constant 503808 : i32
      %parallel_loop3A_335 = vector.broadcast %parallel_loop3A_334 : i32 to vector<16xi32>
      %parallel_loop3A_336 = arith.cmpi slt, %parallel_loop3A_332, %parallel_loop3A_335 : vector<16xi32>
      %parallel_loop3A_337 = arith.constant 1007615 : i32
      %parallel_loop3A_338 = vector.broadcast %parallel_loop3A_337 : i32 to vector<16xi32>
      %parallel_loop3A_339 = arith.subi %parallel_loop3A_333, %parallel_loop3A_338 : vector<16xi32>
      %parallel_loop3A_340 = arith.select %parallel_loop3A_336, %parallel_loop3A_333, %parallel_loop3A_339 : vector<16xi1>, vector<16xi32>
      %parallel_loop3A_341 = arith.index_cast %parallel_loop3A_22 : i32 to index
      %parallel_loop3A_342 = arith.constant 288 : index
      %parallel_loop3A_343 = tpu.vector_load %arg5[%parallel_loop3A_341, %parallel_loop3A_342] {strides = array<i32>} : memref<64x400xi32, #tpu.memory_space<vmem>>, vector<1x16xi32>,
      %parallel_loop3A_344 = vector.shape_cast %parallel_loop3A_343 : vector<1x16xi32> to vector<16xi32>
      %parallel_loop3A_345 = vector.shape_cast %parallel_loop3A_340 : vector<16xi32> to vector<1x16xi32>
      tpu.vector_store %arg5[%parallel_loop3A_341, %parallel_loop3A_342], %parallel_loop3A_345 {strides = array<i32>} : memref<64x400xi32, #tpu.memory_space<vmem>>, vector<1x16xi32>,
      %parallel_loop3A_346 = arith.index_cast %parallel_loop3A_22 : i32 to index
      %parallel_loop3A_347 = arith.constant 304 : index
      %parallel_loop3A_348 = tpu.vector_load %arg5[%parallel_loop3A_346, %parallel_loop3A_347] {strides = array<i32>} : memref<64x400xi32, #tpu.memory_space<vmem>>, vector<1x16xi32>,
      %parallel_loop3A_349 = vector.shape_cast %parallel_loop3A_348 : vector<1x16xi32> to vector<16xi32>
      %parallel_loop3A_350 = arith.addi %parallel_loop3A_349, %parallel_loop3A_349 : vector<16xi32>
      %parallel_loop3A_351 = arith.constant 503808 : i32
      %parallel_loop3A_352 = vector.broadcast %parallel_loop3A_351 : i32 to vector<16xi32>
      %parallel_loop3A_353 = arith.cmpi slt, %parallel_loop3A_349, %parallel_loop3A_352 : vector<16xi32>
      %parallel_loop3A_354 = arith.constant 1007615 : i32
      %parallel_loop3A_355 = vector.broadcast %parallel_loop3A_354 : i32 to vector<16xi32>
      %parallel_loop3A_356 = arith.subi %parallel_loop3A_350, %parallel_loop3A_355 : vector<16xi32>
      %parallel_loop3A_357 = arith.select %parallel_loop3A_353, %parallel_loop3A_350, %parallel_loop3A_356 : vector<16xi1>, vector<16xi32>
      %parallel_loop3A_358 = arith.index_cast %parallel_loop3A_22 : i32 to index
      %parallel_loop3A_359 = arith.constant 304 : index
      %parallel_loop3A_360 = tpu.vector_load %arg5[%parallel_loop3A_358, %parallel_loop3A_359] {strides = array<i32>} : memref<64x400xi32, #tpu.memory_space<vmem>>, vector<1x16xi32>,
      %parallel_loop3A_361 = vector.shape_cast %parallel_loop3A_360 : vector<1x16xi32> to vector<16xi32>
      %parallel_loop3A_362 = vector.shape_cast %parallel_loop3A_357 : vector<16xi32> to vector<1x16xi32>
      tpu.vector_store %arg5[%parallel_loop3A_358, %parallel_loop3A_359], %parallel_loop3A_362 {strides = array<i32>} : memref<64x400xi32, #tpu.memory_space<vmem>>, vector<1x16xi32>,
      %parallel_loop3A_363 = arith.index_cast %parallel_loop3A_22 : i32 to index
      %parallel_loop3A_364 = arith.constant 320 : index
      %parallel_loop3A_365 = tpu.vector_load %arg5[%parallel_loop3A_363, %parallel_loop3A_364] {strides = array<i32>} : memref<64x400xi32, #tpu.memory_space<vmem>>, vector<1x16xi32>,
      %parallel_loop3A_366 = vector.shape_cast %parallel_loop3A_365 : vector<1x16xi32> to vector<16xi32>
      %parallel_loop3A_367 = arith.addi %parallel_loop3A_366, %parallel_loop3A_366 : vector<16xi32>
      %parallel_loop3A_368 = arith.constant 503808 : i32
      %parallel_loop3A_369 = vector.broadcast %parallel_loop3A_368 : i32 to vector<16xi32>
      %parallel_loop3A_370 = arith.cmpi slt, %parallel_loop3A_366, %parallel_loop3A_369 : vector<16xi32>
      %parallel_loop3A_371 = arith.constant 1007615 : i32
      %parallel_loop3A_372 = vector.broadcast %parallel_loop3A_371 : i32 to vector<16xi32>
      %parallel_loop3A_373 = arith.subi %parallel_loop3A_367, %parallel_loop3A_372 : vector<16xi32>
      %parallel_loop3A_374 = arith.select %parallel_loop3A_370, %parallel_loop3A_367, %parallel_loop3A_373 : vector<16xi1>, vector<16xi32>
      %parallel_loop3A_375 = arith.index_cast %parallel_loop3A_22 : i32 to index
      %parallel_loop3A_376 = arith.constant 320 : index
      %parallel_loop3A_377 = tpu.vector_load %arg5[%parallel_loop3A_375, %parallel_loop3A_376] {strides = array<i32>} : memref<64x400xi32, #tpu.memory_space<vmem>>, vector<1x16xi32>,
      %parallel_loop3A_378 = vector.shape_cast %parallel_loop3A_377 : vector<1x16xi32> to vector<16xi32>
      %parallel_loop3A_379 = vector.shape_cast %parallel_loop3A_374 : vector<16xi32> to vector<1x16xi32>
      tpu.vector_store %arg5[%parallel_loop3A_375, %parallel_loop3A_376], %parallel_loop3A_379 {strides = array<i32>} : memref<64x400xi32, #tpu.memory_space<vmem>>, vector<1x16xi32>,
      %parallel_loop3A_380 = arith.index_cast %parallel_loop3A_22 : i32 to index
      %parallel_loop3A_381 = arith.constant 336 : index
      %parallel_loop3A_382 = tpu.vector_load %arg5[%parallel_loop3A_380, %parallel_loop3A_381] {strides = array<i32>} : memref<64x400xi32, #tpu.memory_space<vmem>>, vector<1x16xi32>,
      %parallel_loop3A_383 = vector.shape_cast %parallel_loop3A_382 : vector<1x16xi32> to vector<16xi32>
      %parallel_loop3A_384 = arith.addi %parallel_loop3A_383, %parallel_loop3A_383 : vector<16xi32>
      %parallel_loop3A_385 = arith.constant 503808 : i32
      %parallel_loop3A_386 = vector.broadcast %parallel_loop3A_385 : i32 to vector<16xi32>
      %parallel_loop3A_387 = arith.cmpi slt, %parallel_loop3A_383, %parallel_loop3A_386 : vector<16xi32>
      %parallel_loop3A_388 = arith.constant 1007615 : i32
      %parallel_loop3A_389 = vector.broadcast %parallel_loop3A_388 : i32 to vector<16xi32>
      %parallel_loop3A_390 = arith.subi %parallel_loop3A_384, %parallel_loop3A_389 : vector<16xi32>
      %parallel_loop3A_391 = arith.select %parallel_loop3A_387, %parallel_loop3A_384, %parallel_loop3A_390 : vector<16xi1>, vector<16xi32>
      %parallel_loop3A_392 = arith.index_cast %parallel_loop3A_22 : i32 to index
      %parallel_loop3A_393 = arith.constant 336 : index
      %parallel_loop3A_394 = tpu.vector_load %arg5[%parallel_loop3A_392, %parallel_loop3A_393] {strides = array<i32>} : memref<64x400xi32, #tpu.memory_space<vmem>>, vector<1x16xi32>,
      %parallel_loop3A_395 = vector.shape_cast %parallel_loop3A_394 : vector<1x16xi32> to vector<16xi32>
      %parallel_loop3A_396 = vector.shape_cast %parallel_loop3A_391 : vector<16xi32> to vector<1x16xi32>
      tpu.vector_store %arg5[%parallel_loop3A_392, %parallel_loop3A_393], %parallel_loop3A_396 {strides = array<i32>} : memref<64x400xi32, #tpu.memory_space<vmem>>, vector<1x16xi32>,
      %parallel_loop3A_397 = arith.index_cast %parallel_loop3A_22 : i32 to index
      %parallel_loop3A_398 = arith.constant 352 : index
      %parallel_loop3A_399 = tpu.vector_load %arg5[%parallel_loop3A_397, %parallel_loop3A_398] {strides = array<i32>} : memref<64x400xi32, #tpu.memory_space<vmem>>, vector<1x16xi32>,
      %parallel_loop3A_400 = vector.shape_cast %parallel_loop3A_399 : vector<1x16xi32> to vector<16xi32>
      %parallel_loop3A_401 = arith.addi %parallel_loop3A_400, %parallel_loop3A_400 : vector<16xi32>
      %parallel_loop3A_402 = arith.constant 503808 : i32
      %parallel_loop3A_403 = vector.broadcast %parallel_loop3A_402 : i32 to vector<16xi32>
      %parallel_loop3A_404 = arith.cmpi slt, %parallel_loop3A_400, %parallel_loop3A_403 : vector<16xi32>
      %parallel_loop3A_405 = arith.constant 1007615 : i32
      %parallel_loop3A_406 = vector.broadcast %parallel_loop3A_405 : i32 to vector<16xi32>
      %parallel_loop3A_407 = arith.subi %parallel_loop3A_401, %parallel_loop3A_406 : vector<16xi32>
      %parallel_loop3A_408 = arith.select %parallel_loop3A_404, %parallel_loop3A_401, %parallel_loop3A_407 : vector<16xi1>, vector<16xi32>
      %parallel_loop3A_409 = arith.index_cast %parallel_loop3A_22 : i32 to index
      %parallel_loop3A_410 = arith.constant 352 : index
      %parallel_loop3A_411 = tpu.vector_load %arg5[%parallel_loop3A_409, %parallel_loop3A_410] {strides = array<i32>} : memref<64x400xi32, #tpu.memory_space<vmem>>, vector<1x16xi32>,
      %parallel_loop3A_412 = vector.shape_cast %parallel_loop3A_411 : vector<1x16xi32> to vector<16xi32>
      %parallel_loop3A_413 = vector.shape_cast %parallel_loop3A_408 : vector<16xi32> to vector<1x16xi32>
      tpu.vector_store %arg5[%parallel_loop3A_409, %parallel_loop3A_410], %parallel_loop3A_413 {strides = array<i32>} : memref<64x400xi32, #tpu.memory_space<vmem>>, vector<1x16xi32>,
      %parallel_loop3A_414 = arith.index_cast %parallel_loop3A_22 : i32 to index
      %parallel_loop3A_415 = arith.constant 368 : index
      %parallel_loop3A_416 = tpu.vector_load %arg5[%parallel_loop3A_414, %parallel_loop3A_415] {strides = array<i32>} : memref<64x400xi32, #tpu.memory_space<vmem>>, vector<1x16xi32>,
      %parallel_loop3A_417 = vector.shape_cast %parallel_loop3A_416 : vector<1x16xi32> to vector<16xi32>
      %parallel_loop3A_418 = arith.addi %parallel_loop3A_417, %parallel_loop3A_417 : vector<16xi32>
      %parallel_loop3A_419 = arith.constant 503808 : i32
      %parallel_loop3A_420 = vector.broadcast %parallel_loop3A_419 : i32 to vector<16xi32>
      %parallel_loop3A_421 = arith.cmpi slt, %parallel_loop3A_417, %parallel_loop3A_420 : vector<16xi32>
      %parallel_loop3A_422 = arith.constant 1007615 : i32
      %parallel_loop3A_423 = vector.broadcast %parallel_loop3A_422 : i32 to vector<16xi32>
      %parallel_loop3A_424 = arith.subi %parallel_loop3A_418, %parallel_loop3A_423 : vector<16xi32>
      %parallel_loop3A_425 = arith.select %parallel_loop3A_421, %parallel_loop3A_418, %parallel_loop3A_424 : vector<16xi1>, vector<16xi32>
      %parallel_loop3A_426 = arith.index_cast %parallel_loop3A_22 : i32 to index
      %parallel_loop3A_427 = arith.constant 368 : index
      %parallel_loop3A_428 = tpu.vector_load %arg5[%parallel_loop3A_426, %parallel_loop3A_427] {strides = array<i32>} : memref<64x400xi32, #tpu.memory_space<vmem>>, vector<1x16xi32>,
      %parallel_loop3A_429 = vector.shape_cast %parallel_loop3A_428 : vector<1x16xi32> to vector<16xi32>
      %parallel_loop3A_430 = vector.shape_cast %parallel_loop3A_425 : vector<16xi32> to vector<1x16xi32>
      tpu.vector_store %arg5[%parallel_loop3A_426, %parallel_loop3A_427], %parallel_loop3A_430 {strides = array<i32>} : memref<64x400xi32, #tpu.memory_space<vmem>>, vector<1x16xi32>,
      %parallel_loop3A_431 = arith.index_cast %parallel_loop3A_22 : i32 to index
      %parallel_loop3A_432 = arith.constant 384 : index
      %parallel_loop3A_433 = tpu.vector_load %arg5[%parallel_loop3A_431, %parallel_loop3A_432] {strides = array<i32>} : memref<64x400xi32, #tpu.memory_space<vmem>>, vector<1x16xi32>,
      %parallel_loop3A_434 = vector.shape_cast %parallel_loop3A_433 : vector<1x16xi32> to vector<16xi32>
      %parallel_loop3A_435 = arith.addi %parallel_loop3A_434, %parallel_loop3A_434 : vector<16xi32>
      %parallel_loop3A_436 = arith.constant 503808 : i32
      %parallel_loop3A_437 = vector.broadcast %parallel_loop3A_436 : i32 to vector<16xi32>
      %parallel_loop3A_438 = arith.cmpi slt, %parallel_loop3A_434, %parallel_loop3A_437 : vector<16xi32>
      %parallel_loop3A_439 = arith.constant 1007615 : i32
      %parallel_loop3A_440 = vector.broadcast %parallel_loop3A_439 : i32 to vector<16xi32>
      %parallel_loop3A_441 = arith.subi %parallel_loop3A_435, %parallel_loop3A_440 : vector<16xi32>
      %parallel_loop3A_442 = arith.select %parallel_loop3A_438, %parallel_loop3A_435, %parallel_loop3A_441 : vector<16xi1>, vector<16xi32>
      %parallel_loop3A_443 = arith.index_cast %parallel_loop3A_22 : i32 to index
      %parallel_loop3A_444 = arith.constant 384 : index
      %parallel_loop3A_445 = tpu.vector_load %arg5[%parallel_loop3A_443, %parallel_loop3A_444] {strides = array<i32>} : memref<64x400xi32, #tpu.memory_space<vmem>>, vector<1x16xi32>,
      %parallel_loop3A_446 = vector.shape_cast %parallel_loop3A_445 : vector<1x16xi32> to vector<16xi32>
      %parallel_loop3A_447 = vector.shape_cast %parallel_loop3A_442 : vector<16xi32> to vector<1x16xi32>
      tpu.vector_store %arg5[%parallel_loop3A_443, %parallel_loop3A_444], %parallel_loop3A_447 {strides = array<i32>} : memref<64x400xi32, #tpu.memory_space<vmem>>, vector<1x16xi32>,
    } {sc.loop_unroll_factor = 1 : i64, sc.parallel_access}
    %dma_start3A = arith.constant 0 : i32
    %dma_start3A_7 = arith.constant 0 : i32
    %dma_start3A_8 = arith.constant 0 : i32
    %dma_start3A_9 = arith.constant 0 : i32
    %dma_start3A_10 = tpu.memref_slice %arg6[%dma_start3A_7, %dma_start3A_8, %dma_start3A_9] : memref<2x400x64xf32, #tpu.memory_space<vmem>> -> memref<1x400x64xf32, #tpu.memory_space<vmem>>
    %dma_start3A_11 = tpu.memref_squeeze %dma_start3A_10 : memref<1x400x64xf32, #tpu.memory_space<vmem>> -> memref<400x64xf32, #tpu.memory_space<vmem>>
    %dma_start3A_12 = arith.constant 0 : i32
    %dma_start3A_13 = tpu.memref_slice %arg5[%dma_start3A, %dma_start3A_12] : memref<64x400xi32, #tpu.memory_space<vmem>> -> memref<1x400xi32, #tpu.memory_space<vmem>>
    %dma_start3A_14 = tpu.memref_squeeze %dma_start3A_13 : memref<1x400xi32, #tpu.memory_space<vmem>> -> memref<400xi32, #tpu.memory_space<vmem>>
    %dma_start3A_15 = arith.constant 0 : i32
    %dma_start3A_16 = arith.constant 0 : i32
    %dma_start3A_17 = tpu.memref_slice %arg2[%dma_start3A_15, %dma_start3A_16] : memref<1007616x64xf32, #tpu.memory_space<hbm>> -> memref<1007616x64xf32, #tpu.memory_space<hbm>>
    tpu.enqueue_indirect_dma source(%dma_start3A_17 : memref<1007616x64xf32, #tpu.memory_space<hbm>>) target(%dma_start3A_11 : memref<400x64xf32, #tpu.memory_space<vmem>>) offsets(%dma_start3A_14 : memref<400xi32, #tpu.memory_space<vmem>>) semaphore(%arg8 : memref<!tpu.dma_semaphore, #tpu.memory_space<semaphore_mem>>)
    %scan3A = arith.constant 0 : i32
    %scan3A_18 = arith.constant 32 : i32
    %scan3A_19 = arith.addi %scan3A, %scan3A_18 : i32
    %scan3A_20 = arith.constant 1 : i32
    scf.for %scan3A_22 = %scan3A to %scan3A_19 step %scan3A_20  : i32 {
      %mul3A_23 = arith.constant 1 : i32
      %mul3A_24 = arith.muli %scan3A_22, %mul3A_23 : i32
      %add3A_25 = arith.constant 0 : i32
      %add3A_26 = arith.addi %add3A_25, %mul3A_24 : i32
      %mul3A_27 = arith.constant 2 : i32
      %mul3A_28 = arith.muli %add3A_26, %mul3A_27 : i32
      %add3A_29 = arith.constant 1 : i32
      %add3A_30 = arith.addi %mul3A_28, %add3A_29 : i32
      %dma_start3A_31 = arith.constant 1 : i32
      %dma_start3A_32 = arith.constant 0 : i32
      %dma_start3A_33 = arith.constant 0 : i32
      %dma_start3A_34 = tpu.memref_slice %arg6[%dma_start3A_31, %dma_start3A_32, %dma_start3A_33] : memref<2x400x64xf32, #tpu.memory_space<vmem>> -> memref<1x400x64xf32, #tpu.memory_space<vmem>>
      %dma_start3A_35 = tpu.memref_squeeze %dma_start3A_34 : memref<1x400x64xf32, #tpu.memory_space<vmem>> -> memref<400x64xf32, #tpu.memory_space<vmem>>
      %dma_start3A_36 = arith.constant 0 : i32
      %dma_start3A_37 = tpu.memref_slice %arg5[%add3A_30, %dma_start3A_36] : memref<64x400xi32, #tpu.memory_space<vmem>> -> memref<1x400xi32, #tpu.memory_space<vmem>>
      %dma_start3A_38 = tpu.memref_squeeze %dma_start3A_37 : memref<1x400xi32, #tpu.memory_space<vmem>> -> memref<400xi32, #tpu.memory_space<vmem>>
      %dma_start3A_39 = arith.constant 0 : i32
      %dma_start3A_40 = arith.constant 0 : i32
      %dma_start3A_41 = tpu.memref_slice %arg2[%dma_start3A_39, %dma_start3A_40] : memref<1007616x64xf32, #tpu.memory_space<hbm>> -> memref<1007616x64xf32, #tpu.memory_space<hbm>>
      tpu.enqueue_indirect_dma source(%dma_start3A_41 : memref<1007616x64xf32, #tpu.memory_space<hbm>>) target(%dma_start3A_35 : memref<400x64xf32, #tpu.memory_space<vmem>>) offsets(%dma_start3A_38 : memref<400xi32, #tpu.memory_space<vmem>>) semaphore(%arg9 : memref<!tpu.dma_semaphore, #tpu.memory_space<semaphore_mem>>)
      %dma_wait3A = arith.constant 0 : i32
      %dma_wait3A_42 = arith.constant 0 : i32
      %dma_wait3A_43 = arith.constant 0 : i32
      %dma_wait3A_44 = tpu.memref_slice %arg6[%dma_wait3A, %dma_wait3A_42, %dma_wait3A_43] : memref<2x400x64xf32, #tpu.memory_space<vmem>> -> memref<1x400x64xf32, #tpu.memory_space<vmem>>
      %dma_wait3A_45 = tpu.memref_squeeze %dma_wait3A_44 : memref<1x400x64xf32, #tpu.memory_space<vmem>> -> memref<400x64xf32, #tpu.memory_space<vmem>>
      %dma_wait3A_46 = arith.constant 0 : i32
      %dma_wait3A_47 = tpu.memref_slice %arg5[%mul3A_28, %dma_wait3A_46] : memref<64x400xi32, #tpu.memory_space<vmem>> -> memref<1x400xi32, #tpu.memory_space<vmem>>
      %dma_wait3A_48 = tpu.memref_squeeze %dma_wait3A_47 : memref<1x400xi32, #tpu.memory_space<vmem>> -> memref<400xi32, #tpu.memory_space<vmem>>
      %dma_wait3A_49 = arith.constant 0 : i32
      %dma_wait3A_50 = arith.constant 0 : i32
      %dma_wait3A_51 = tpu.memref_slice %arg2[%dma_wait3A_49, %dma_wait3A_50] : memref<1007616x64xf32, #tpu.memory_space<hbm>> -> memref<1007616x64xf32, #tpu.memory_space<hbm>>
      tpu.wait_indirect_dma semaphore(%arg8 : memref<!tpu.dma_semaphore, #tpu.memory_space<semaphore_mem>>) src(%dma_wait3A_51 : memref<1007616x64xf32, #tpu.memory_space<hbm>>) dst(%dma_wait3A_45 : memref<400x64xf32, #tpu.memory_space<vmem>>)
      %scan3A_52 = arith.constant 0 : i32
      %scan3A_53 = arith.constant 8 : i32
      %scan3A_54 = arith.addi %scan3A_52, %scan3A_53 : i32
      %scan3A_55 = arith.constant 1 : i32
      scf.for %scan3A_88 = %scan3A_52 to %scan3A_54 step %scan3A_55  : i32 {
        %mul3A_89 = arith.constant 1 : i32
        %mul3A_90 = arith.muli %scan3A_88, %mul3A_89 : i32
        %add3A_91 = arith.constant 0 : i32
        %add3A_92 = arith.addi %add3A_91, %mul3A_90 : i32
        %mul3A_93 = arith.constant 50 : i32
        %mul3A_94 = arith.muli %add3A_92, %mul3A_93 : i32
        %get3A = arith.constant 0 : i32
        %get3A_95 = arith.index_cast %get3A : i32 to index
        %get3A_96 = arith.index_cast %mul3A_94 : i32 to index
        %get3A_97 = arith.constant 0 : index
        %get3A_98 = tpu.vector_load %arg6[%get3A_95, %get3A_96, %get3A_97] {strides = array<i32>} : memref<2x400x64xf32, #tpu.memory_space<vmem>>, vector<1x1x16xf32>,
        %get3A_99 = vector.shape_cast %get3A_98 : vector<1x1x16xf32> to vector<16xf32>
        %mul3A_100 = arith.constant 50 : i32
        %mul3A_101 = arith.muli %add3A_92, %mul3A_100 : i32
        %get3A_102 = arith.constant 0 : i32
        %get3A_103 = arith.index_cast %get3A_102 : i32 to index
        %get3A_104 = arith.index_cast %mul3A_101 : i32 to index
        %get3A_105 = arith.constant 16 : index
        %get3A_106 = tpu.vector_load %arg6[%get3A_103, %get3A_104, %get3A_105] {strides = array<i32>} : memref<2x400x64xf32, #tpu.memory_space<vmem>>, vector<1x1x16xf32>,
        %get3A_107 = vector.shape_cast %get3A_106 : vector<1x1x16xf32> to vector<16xf32>
        %mul3A_108 = arith.constant 50 : i32
        %mul3A_109 = arith.muli %add3A_92, %mul3A_108 : i32
        %get3A_110 = arith.constant 0 : i32
        %get3A_111 = arith.index_cast %get3A_110 : i32 to index
        %get3A_112 = arith.index_cast %mul3A_109 : i32 to index
        %get3A_113 = arith.constant 32 : index
        %get3A_114 = tpu.vector_load %arg6[%get3A_111, %get3A_112, %get3A_113] {strides = array<i32>} : memref<2x400x64xf32, #tpu.memory_space<vmem>>, vector<1x1x16xf32>,
        %get3A_115 = vector.shape_cast %get3A_114 : vector<1x1x16xf32> to vector<16xf32>
        %mul3A_116 = arith.constant 50 : i32
        %mul3A_117 = arith.muli %add3A_92, %mul3A_116 : i32
        %get3A_118 = arith.constant 0 : i32
        %get3A_119 = arith.index_cast %get3A_118 : i32 to index
        %get3A_120 = arith.index_cast %mul3A_117 : i32 to index
        %get3A_121 = arith.constant 48 : index
        %get3A_122 = tpu.vector_load %arg6[%get3A_119, %get3A_120, %get3A_121] {strides = array<i32>} : memref<2x400x64xf32, #tpu.memory_space<vmem>>, vector<1x1x16xf32>,
        %get3A_123 = vector.shape_cast %get3A_122 : vector<1x1x16xf32> to vector<16xf32>
        %parallel_loop3A_124 = arith.constant 1 : i32
        %parallel_loop3A_125 = arith.constant 50 : i32
        %parallel_loop3A_126 = arith.constant 1 : i32
        %parallel_loop3A_127:4 = scf.for %parallel_loop3A_155 = %parallel_loop3A_124 to %parallel_loop3A_125 step %parallel_loop3A_126 iter_args(%parallel_loop3A_156 = %get3A_99, %parallel_loop3A_157 = %get3A_107, %parallel_loop3A_158 = %get3A_115, %parallel_loop3A_159 = %get3A_123) -> (vector<16xf32>, vector<16xf32>, vector<16xf32>, vector<16xf32>)  : i32 {
          %parallel_loop3A_160 = arith.constant 50 : i32
          %parallel_loop3A_161 = arith.muli %add3A_92, %parallel_loop3A_160 : i32
          %parallel_loop3A_162 = arith.addi %parallel_loop3A_161, %parallel_loop3A_155 : i32
          %parallel_loop3A_163 = arith.constant 0 : i32
          %parallel_loop3A_164 = arith.index_cast %parallel_loop3A_163 : i32 to index
          %parallel_loop3A_165 = arith.index_cast %parallel_loop3A_162 : i32 to index
          %parallel_loop3A_166 = arith.constant 0 : index
          %parallel_loop3A_167 = tpu.vector_load %arg6[%parallel_loop3A_164, %parallel_loop3A_165, %parallel_loop3A_166] {strides = array<i32>} : memref<2x400x64xf32, #tpu.memory_space<vmem>>, vector<1x1x16xf32>,
          %parallel_loop3A_168 = vector.shape_cast %parallel_loop3A_167 : vector<1x1x16xf32> to vector<16xf32>
          %parallel_loop3A_169 = arith.addf %parallel_loop3A_156, %parallel_loop3A_168 : vector<16xf32>
          %parallel_loop3A_170 = arith.constant 50 : i32
          %parallel_loop3A_171 = arith.muli %add3A_92, %parallel_loop3A_170 : i32
          %parallel_loop3A_172 = arith.addi %parallel_loop3A_171, %parallel_loop3A_155 : i32
          %parallel_loop3A_173 = arith.constant 0 : i32
          %parallel_loop3A_174 = arith.index_cast %parallel_loop3A_173 : i32 to index
          %parallel_loop3A_175 = arith.index_cast %parallel_loop3A_172 : i32 to index
          %parallel_loop3A_176 = arith.constant 16 : index
          %parallel_loop3A_177 = tpu.vector_load %arg6[%parallel_loop3A_174, %parallel_loop3A_175, %parallel_loop3A_176] {strides = array<i32>} : memref<2x400x64xf32, #tpu.memory_space<vmem>>, vector<1x1x16xf32>,
          %parallel_loop3A_178 = vector.shape_cast %parallel_loop3A_177 : vector<1x1x16xf32> to vector<16xf32>
          %parallel_loop3A_179 = arith.addf %parallel_loop3A_157, %parallel_loop3A_178 : vector<16xf32>
          %parallel_loop3A_180 = arith.constant 50 : i32
          %parallel_loop3A_181 = arith.muli %add3A_92, %parallel_loop3A_180 : i32
          %parallel_loop3A_182 = arith.addi %parallel_loop3A_181, %parallel_loop3A_155 : i32
          %parallel_loop3A_183 = arith.constant 0 : i32
          %parallel_loop3A_184 = arith.index_cast %parallel_loop3A_183 : i32 to index
          %parallel_loop3A_185 = arith.index_cast %parallel_loop3A_182 : i32 to index
          %parallel_loop3A_186 = arith.constant 32 : index
          %parallel_loop3A_187 = tpu.vector_load %arg6[%parallel_loop3A_184, %parallel_loop3A_185, %parallel_loop3A_186] {strides = array<i32>} : memref<2x400x64xf32, #tpu.memory_space<vmem>>, vector<1x1x16xf32>,
          %parallel_loop3A_188 = vector.shape_cast %parallel_loop3A_187 : vector<1x1x16xf32> to vector<16xf32>
          %parallel_loop3A_189 = arith.addf %parallel_loop3A_158, %parallel_loop3A_188 : vector<16xf32>
          %parallel_loop3A_190 = arith.constant 50 : i32
          %parallel_loop3A_191 = arith.muli %add3A_92, %parallel_loop3A_190 : i32
          %parallel_loop3A_192 = arith.addi %parallel_loop3A_191, %parallel_loop3A_155 : i32
          %parallel_loop3A_193 = arith.constant 0 : i32
          %parallel_loop3A_194 = arith.index_cast %parallel_loop3A_193 : i32 to index
          %parallel_loop3A_195 = arith.index_cast %parallel_loop3A_192 : i32 to index
          %parallel_loop3A_196 = arith.constant 48 : index
          %parallel_loop3A_197 = tpu.vector_load %arg6[%parallel_loop3A_194, %parallel_loop3A_195, %parallel_loop3A_196] {strides = array<i32>} : memref<2x400x64xf32, #tpu.memory_space<vmem>>, vector<1x1x16xf32>,
          %parallel_loop3A_198 = vector.shape_cast %parallel_loop3A_197 : vector<1x1x16xf32> to vector<16xf32>
          %parallel_loop3A_199 = arith.addf %parallel_loop3A_159, %parallel_loop3A_198 : vector<16xf32>
          scf.yield %parallel_loop3A_169, %parallel_loop3A_179, %parallel_loop3A_189, %parallel_loop3A_199 : vector<16xf32>, vector<16xf32>, vector<16xf32>, vector<16xf32>
        } {sc.loop_unroll_factor = 7 : i64, sc.parallel_access}
        %swap3A = arith.constant 0 : i32
        %swap3A_128 = arith.index_cast %swap3A : i32 to index
        %swap3A_129 = arith.index_cast %add3A_92 : i32 to index
        %swap3A_130 = arith.constant 0 : index
        %swap3A_131 = tpu.vector_load %arg7[%swap3A_128, %swap3A_129, %swap3A_130] {strides = array<i32>} : memref<2x8x64xf32, #tpu.memory_space<vmem>>, vector<1x1x16xf32>,
        %swap3A_132 = vector.shape_cast %swap3A_131 : vector<1x1x16xf32> to vector<16xf32>
        %swap3A_133 = vector.shape_cast %parallel_loop3A_127#0 : vector<16xf32> to vector<1x1x16xf32>
        tpu.vector_store %arg7[%swap3A_128, %swap3A_129, %swap3A_130], %swap3A_133 {strides = array<i32>} : memref<2x8x64xf32, #tpu.memory_space<vmem>>, vector<1x1x16xf32>,
        %swap3A_134 = arith.constant 0 : i32
        %swap3A_135 = arith.index_cast %swap3A_134 : i32 to index
        %swap3A_136 = arith.index_cast %add3A_92 : i32 to index
        %swap3A_137 = arith.constant 16 : index
        %swap3A_138 = tpu.vector_load %arg7[%swap3A_135, %swap3A_136, %swap3A_137] {strides = array<i32>} : memref<2x8x64xf32, #tpu.memory_space<vmem>>, vector<1x1x16xf32>,
        %swap3A_139 = vector.shape_cast %swap3A_138 : vector<1x1x16xf32> to vector<16xf32>
        %swap3A_140 = vector.shape_cast %parallel_loop3A_127#1 : vector<16xf32> to vector<1x1x16xf32>
        tpu.vector_store %arg7[%swap3A_135, %swap3A_136, %swap3A_137], %swap3A_140 {strides = array<i32>} : memref<2x8x64xf32, #tpu.memory_space<vmem>>, vector<1x1x16xf32>,
        %swap3A_141 = arith.constant 0 : i32
        %swap3A_142 = arith.index_cast %swap3A_141 : i32 to index
        %swap3A_143 = arith.index_cast %add3A_92 : i32 to index
        %swap3A_144 = arith.constant 32 : index
        %swap3A_145 = tpu.vector_load %arg7[%swap3A_142, %swap3A_143, %swap3A_144] {strides = array<i32>} : memref<2x8x64xf32, #tpu.memory_space<vmem>>, vector<1x1x16xf32>,
        %swap3A_146 = vector.shape_cast %swap3A_145 : vector<1x1x16xf32> to vector<16xf32>
        %swap3A_147 = vector.shape_cast %parallel_loop3A_127#2 : vector<16xf32> to vector<1x1x16xf32>
        tpu.vector_store %arg7[%swap3A_142, %swap3A_143, %swap3A_144], %swap3A_147 {strides = array<i32>} : memref<2x8x64xf32, #tpu.memory_space<vmem>>, vector<1x1x16xf32>,
        %swap3A_148 = arith.constant 0 : i32
        %swap3A_149 = arith.index_cast %swap3A_148 : i32 to index
        %swap3A_150 = arith.index_cast %add3A_92 : i32 to index
        %swap3A_151 = arith.constant 48 : index
        %swap3A_152 = tpu.vector_load %arg7[%swap3A_149, %swap3A_150, %swap3A_151] {strides = array<i32>} : memref<2x8x64xf32, #tpu.memory_space<vmem>>, vector<1x1x16xf32>,
        %swap3A_153 = vector.shape_cast %swap3A_152 : vector<1x1x16xf32> to vector<16xf32>
        %swap3A_154 = vector.shape_cast %parallel_loop3A_127#3 : vector<16xf32> to vector<1x1x16xf32>
        tpu.vector_store %arg7[%swap3A_149, %swap3A_150, %swap3A_151], %swap3A_154 {strides = array<i32>} : memref<2x8x64xf32, #tpu.memory_space<vmem>>, vector<1x1x16xf32>,
      }
      %scan3A_56 = arith.constant 8 : i32
      %mul3A_57 = arith.constant 8 : i32
      %mul3A_58 = arith.muli %mul3A_28, %mul3A_57 : i32
      %add3A_59 = arith.addi %mul3A_2, %mul3A_58 : i32
      %run_scoped3A = arith.constant 0 : i32
      "tpu.region"() ({
        %run_scoped3A_88 = tpu.sem_alloc : memref<!tpu.dma_semaphore, #tpu.memory_space<semaphore_mem>>
        %dma_start3A_89 = arith.constant 0 : i32
        %dma_start3A_90 = arith.constant 0 : i32
        %dma_start3A_91 = tpu.memref_slice %arg7[%run_scoped3A, %dma_start3A_89, %dma_start3A_90] : memref<2x8x64xf32, #tpu.memory_space<vmem>> -> memref<1x8x64xf32, #tpu.memory_space<vmem>>
        %dma_start3A_92 = tpu.memref_squeeze %dma_start3A_91 : memref<1x8x64xf32, #tpu.memory_space<vmem>> -> memref<8x64xf32, #tpu.memory_space<vmem>>
        %dma_start3A_93 = arith.constant 0 : i32
        %dma_start3A_94 = tpu.memref_slice %arg4[%add3A_59, %dma_start3A_93] : memref<16384x64xf32, #tpu.memory_space<hbm>> -> memref<8x64xf32, #tpu.memory_space<hbm>>
        %dma_start3A_95 = arith.constant 0 : i32
        %dma_start3A_96 = tpu.memref_slice %arg4[%add3A_59, %dma_start3A_95] : memref<16384x64xf32, #tpu.memory_space<hbm>> -> memref<8x64xf32, #tpu.memory_space<hbm>>
        %dma_start3A_97 = arith.constant 0 : i32
        %dma_start3A_98 = arith.constant 0 : i32
        %dma_start3A_99 = tpu.memref_slice %arg7[%run_scoped3A, %dma_start3A_97, %dma_start3A_98] : memref<2x8x64xf32, #tpu.memory_space<vmem>> -> memref<1x8x64xf32, #tpu.memory_space<vmem>>
        %dma_start3A_100 = tpu.memref_squeeze %dma_start3A_99 : memref<1x8x64xf32, #tpu.memory_space<vmem>> -> memref<8x64xf32, #tpu.memory_space<vmem>>
        tpu.enqueue_dma source(%dma_start3A_100 : memref<8x64xf32, #tpu.memory_space<vmem>>) target(%dma_start3A_96 : memref<8x64xf32, #tpu.memory_space<hbm>>) target_semaphore(%run_scoped3A_88 : memref<!tpu.dma_semaphore, #tpu.memory_space<semaphore_mem>>)
        %dma_wait3A_101 = arith.constant 0 : i32
        %dma_wait3A_102 = arith.constant 0 : i32
        %dma_wait3A_103 = tpu.memref_slice %arg7[%run_scoped3A, %dma_wait3A_101, %dma_wait3A_102] : memref<2x8x64xf32, #tpu.memory_space<vmem>> -> memref<1x8x64xf32, #tpu.memory_space<vmem>>
        %dma_wait3A_104 = tpu.memref_squeeze %dma_wait3A_103 : memref<1x8x64xf32, #tpu.memory_space<vmem>> -> memref<8x64xf32, #tpu.memory_space<vmem>>
        %dma_wait3A_105 = arith.constant 0 : i32
        %dma_wait3A_106 = tpu.memref_slice %arg4[%add3A_59, %dma_wait3A_105] : memref<16384x64xf32, #tpu.memory_space<hbm>> -> memref<8x64xf32, #tpu.memory_space<hbm>>
        %dma_wait3A_107 = arith.constant 0 : i32
        %dma_wait3A_108 = tpu.memref_slice %arg4[%add3A_59, %dma_wait3A_107] : memref<16384x64xf32, #tpu.memory_space<hbm>> -> memref<8x64xf32, #tpu.memory_space<hbm>>
        %dma_wait3A_109 = arith.constant 0 : i32
        %dma_wait3A_110 = arith.constant 0 : i32
        %dma_wait3A_111 = tpu.memref_slice %arg7[%run_scoped3A, %dma_wait3A_109, %dma_wait3A_110] : memref<2x8x64xf32, #tpu.memory_space<vmem>> -> memref<1x8x64xf32, #tpu.memory_space<vmem>>
        %dma_wait3A_112 = tpu.memref_squeeze %dma_wait3A_111 : memref<1x8x64xf32, #tpu.memory_space<vmem>> -> memref<8x64xf32, #tpu.memory_space<vmem>>
        tpu.wait_dma2 semaphore(%run_scoped3A_88 : memref<!tpu.dma_semaphore, #tpu.memory_space<semaphore_mem>>) src(%dma_wait3A_112 : memref<8x64xf32, #tpu.memory_space<vmem>>) dst(%dma_wait3A_108 : memref<8x64xf32, #tpu.memory_space<hbm>>)
        tpu.yield
      }) : () -> ()
      %add3A_60 = arith.constant 2 : i32
      %add3A_61 = arith.addi %mul3A_28, %add3A_60 : i32
      %lt3A = arith.constant 64 : i32
      %lt3A_62 = arith.cmpi slt, %add3A_61, %lt3A : i32
      %convert_element_type3A = arith.extui %lt3A_62 : i1 to i32
      %cond3A = arith.constant 0 : i32
      %cond3A_63 = arith.cmpi ne, %convert_element_type3A, %cond3A : i32
      scf.if %cond3A_63 {
        %add3A_88 = arith.constant 2 : i32
        %add3A_89 = arith.addi %mul3A_28, %add3A_88 : i32
        %dma_start3A_90 = arith.constant 0 : i32
        %dma_start3A_91 = arith.constant 0 : i32
        %dma_start3A_92 = arith.constant 0 : i32
        %dma_start3A_93 = tpu.memref_slice %arg6[%dma_start3A_90, %dma_start3A_91, %dma_start3A_92] : memref<2x400x64xf32, #tpu.memory_space<vmem>> -> memref<1x400x64xf32, #tpu.memory_space<vmem>>
        %dma_start3A_94 = tpu.memref_squeeze %dma_start3A_93 : memref<1x400x64xf32, #tpu.memory_space<vmem>> -> memref<400x64xf32, #tpu.memory_space<vmem>>
        %dma_start3A_95 = arith.constant 0 : i32
        %dma_start3A_96 = tpu.memref_slice %arg5[%add3A_89, %dma_start3A_95] : memref<64x400xi32, #tpu.memory_space<vmem>> -> memref<1x400xi32, #tpu.memory_space<vmem>>
        %dma_start3A_97 = tpu.memref_squeeze %dma_start3A_96 : memref<1x400xi32, #tpu.memory_space<vmem>> -> memref<400xi32, #tpu.memory_space<vmem>>
        %dma_start3A_98 = arith.constant 0 : i32
        %dma_start3A_99 = arith.constant 0 : i32
        %dma_start3A_100 = tpu.memref_slice %arg2[%dma_start3A_98, %dma_start3A_99] : memref<1007616x64xf32, #tpu.memory_space<hbm>> -> memref<1007616x64xf32, #tpu.memory_space<hbm>>
        tpu.enqueue_indirect_dma source(%dma_start3A_100 : memref<1007616x64xf32, #tpu.memory_space<hbm>>) target(%dma_start3A_94 : memref<400x64xf32, #tpu.memory_space<vmem>>) offsets(%dma_start3A_97 : memref<400xi32, #tpu.memory_space<vmem>>) semaphore(%arg8 : memref<!tpu.dma_semaphore, #tpu.memory_space<semaphore_mem>>)
      } else {
      }
      %add3A_64 = arith.constant 1 : i32
      %add3A_65 = arith.addi %mul3A_28, %add3A_64 : i32
      %dma_wait3A_66 = arith.constant 1 : i32
      %dma_wait3A_67 = arith.constant 0 : i32
      %dma_wait3A_68 = arith.constant 0 : i32
      %dma_wait3A_69 = tpu.memref_slice %arg6[%dma_wait3A_66, %dma_wait3A_67, %dma_wait3A_68] : memref<2x400x64xf32, #tpu.memory_space<vmem>> -> memref<1x400x64xf32, #tpu.memory_space<vmem>>
      %dma_wait3A_70 = tpu.memref_squeeze %dma_wait3A_69 : memref<1x400x64xf32, #tpu.memory_space<vmem>> -> memref<400x64xf32, #tpu.memory_space<vmem>>
      %dma_wait3A_71 = arith.constant 0 : i32
      %dma_wait3A_72 = tpu.memref_slice %arg5[%add3A_65, %dma_wait3A_71] : memref<64x400xi32, #tpu.memory_space<vmem>> -> memref<1x400xi32, #tpu.memory_space<vmem>>
      %dma_wait3A_73 = tpu.memref_squeeze %dma_wait3A_72 : memref<1x400xi32, #tpu.memory_space<vmem>> -> memref<400xi32, #tpu.memory_space<vmem>>
      %dma_wait3A_74 = arith.constant 0 : i32
      %dma_wait3A_75 = arith.constant 0 : i32
      %dma_wait3A_76 = tpu.memref_slice %arg2[%dma_wait3A_74, %dma_wait3A_75] : memref<1007616x64xf32, #tpu.memory_space<hbm>> -> memref<1007616x64xf32, #tpu.memory_space<hbm>>
      tpu.wait_indirect_dma semaphore(%arg9 : memref<!tpu.dma_semaphore, #tpu.memory_space<semaphore_mem>>) src(%dma_wait3A_76 : memref<1007616x64xf32, #tpu.memory_space<hbm>>) dst(%dma_wait3A_70 : memref<400x64xf32, #tpu.memory_space<vmem>>)
      %add3A_77 = arith.constant 1 : i32
      %add3A_78 = arith.addi %mul3A_28, %add3A_77 : i32
      %scan3A_79 = arith.constant 0 : i32
      %scan3A_80 = arith.constant 8 : i32
      %scan3A_81 = arith.addi %scan3A_79, %scan3A_80 : i32
      %scan3A_82 = arith.constant 1 : i32
      scf.for %scan3A_88 = %scan3A_79 to %scan3A_81 step %scan3A_82  : i32 {
        %mul3A_89 = arith.constant 1 : i32
        %mul3A_90 = arith.muli %scan3A_88, %mul3A_89 : i32
        %add3A_91 = arith.constant 0 : i32
        %add3A_92 = arith.addi %add3A_91, %mul3A_90 : i32
        %mul3A_93 = arith.constant 50 : i32
        %mul3A_94 = arith.muli %add3A_92, %mul3A_93 : i32
        %get3A = arith.constant 1 : i32
        %get3A_95 = arith.index_cast %get3A : i32 to index
        %get3A_96 = arith.index_cast %mul3A_94 : i32 to index
        %get3A_97 = arith.constant 0 : index
        %get3A_98 = tpu.vector_load %arg6[%get3A_95, %get3A_96, %get3A_97] {strides = array<i32>} : memref<2x400x64xf32, #tpu.memory_space<vmem>>, vector<1x1x16xf32>,
        %get3A_99 = vector.shape_cast %get3A_98 : vector<1x1x16xf32> to vector<16xf32>
        %mul3A_100 = arith.constant 50 : i32
        %mul3A_101 = arith.muli %add3A_92, %mul3A_100 : i32
        %get3A_102 = arith.constant 1 : i32
        %get3A_103 = arith.index_cast %get3A_102 : i32 to index
        %get3A_104 = arith.index_cast %mul3A_101 : i32 to index
        %get3A_105 = arith.constant 16 : index
        %get3A_106 = tpu.vector_load %arg6[%get3A_103, %get3A_104, %get3A_105] {strides = array<i32>} : memref<2x400x64xf32, #tpu.memory_space<vmem>>, vector<1x1x16xf32>,
        %get3A_107 = vector.shape_cast %get3A_106 : vector<1x1x16xf32> to vector<16xf32>
        %mul3A_108 = arith.constant 50 : i32
        %mul3A_109 = arith.muli %add3A_92, %mul3A_108 : i32
        %get3A_110 = arith.constant 1 : i32
        %get3A_111 = arith.index_cast %get3A_110 : i32 to index
        %get3A_112 = arith.index_cast %mul3A_109 : i32 to index
        %get3A_113 = arith.constant 32 : index
        %get3A_114 = tpu.vector_load %arg6[%get3A_111, %get3A_112, %get3A_113] {strides = array<i32>} : memref<2x400x64xf32, #tpu.memory_space<vmem>>, vector<1x1x16xf32>,
        %get3A_115 = vector.shape_cast %get3A_114 : vector<1x1x16xf32> to vector<16xf32>
        %mul3A_116 = arith.constant 50 : i32
        %mul3A_117 = arith.muli %add3A_92, %mul3A_116 : i32
        %get3A_118 = arith.constant 1 : i32
        %get3A_119 = arith.index_cast %get3A_118 : i32 to index
        %get3A_120 = arith.index_cast %mul3A_117 : i32 to index
        %get3A_121 = arith.constant 48 : index
        %get3A_122 = tpu.vector_load %arg6[%get3A_119, %get3A_120, %get3A_121] {strides = array<i32>} : memref<2x400x64xf32, #tpu.memory_space<vmem>>, vector<1x1x16xf32>,
        %get3A_123 = vector.shape_cast %get3A_122 : vector<1x1x16xf32> to vector<16xf32>
        %parallel_loop3A_124 = arith.constant 1 : i32
        %parallel_loop3A_125 = arith.constant 50 : i32
        %parallel_loop3A_126 = arith.constant 1 : i32
        %parallel_loop3A_127:4 = scf.for %parallel_loop3A_155 = %parallel_loop3A_124 to %parallel_loop3A_125 step %parallel_loop3A_126 iter_args(%parallel_loop3A_156 = %get3A_99, %parallel_loop3A_157 = %get3A_107, %parallel_loop3A_158 = %get3A_115, %parallel_loop3A_159 = %get3A_123) -> (vector<16xf32>, vector<16xf32>, vector<16xf32>, vector<16xf32>)  : i32 {
          %parallel_loop3A_160 = arith.constant 50 : i32
          %parallel_loop3A_161 = arith.muli %add3A_92, %parallel_loop3A_160 : i32
          %parallel_loop3A_162 = arith.addi %parallel_loop3A_161, %parallel_loop3A_155 : i32
          %parallel_loop3A_163 = arith.constant 1 : i32
          %parallel_loop3A_164 = arith.index_cast %parallel_loop3A_163 : i32 to index
          %parallel_loop3A_165 = arith.index_cast %parallel_loop3A_162 : i32 to index
          %parallel_loop3A_166 = arith.constant 0 : index
          %parallel_loop3A_167 = tpu.vector_load %arg6[%parallel_loop3A_164, %parallel_loop3A_165, %parallel_loop3A_166] {strides = array<i32>} : memref<2x400x64xf32, #tpu.memory_space<vmem>>, vector<1x1x16xf32>,
          %parallel_loop3A_168 = vector.shape_cast %parallel_loop3A_167 : vector<1x1x16xf32> to vector<16xf32>
          %parallel_loop3A_169 = arith.addf %parallel_loop3A_156, %parallel_loop3A_168 : vector<16xf32>
          %parallel_loop3A_170 = arith.constant 50 : i32
          %parallel_loop3A_171 = arith.muli %add3A_92, %parallel_loop3A_170 : i32
          %parallel_loop3A_172 = arith.addi %parallel_loop3A_171, %parallel_loop3A_155 : i32
          %parallel_loop3A_173 = arith.constant 1 : i32
          %parallel_loop3A_174 = arith.index_cast %parallel_loop3A_173 : i32 to index
          %parallel_loop3A_175 = arith.index_cast %parallel_loop3A_172 : i32 to index
          %parallel_loop3A_176 = arith.constant 16 : index
          %parallel_loop3A_177 = tpu.vector_load %arg6[%parallel_loop3A_174, %parallel_loop3A_175, %parallel_loop3A_176] {strides = array<i32>} : memref<2x400x64xf32, #tpu.memory_space<vmem>>, vector<1x1x16xf32>,
          %parallel_loop3A_178 = vector.shape_cast %parallel_loop3A_177 : vector<1x1x16xf32> to vector<16xf32>
          %parallel_loop3A_179 = arith.addf %parallel_loop3A_157, %parallel_loop3A_178 : vector<16xf32>
          %parallel_loop3A_180 = arith.constant 50 : i32
          %parallel_loop3A_181 = arith.muli %add3A_92, %parallel_loop3A_180 : i32
          %parallel_loop3A_182 = arith.addi %parallel_loop3A_181, %parallel_loop3A_155 : i32
          %parallel_loop3A_183 = arith.constant 1 : i32
          %parallel_loop3A_184 = arith.index_cast %parallel_loop3A_183 : i32 to index
          %parallel_loop3A_185 = arith.index_cast %parallel_loop3A_182 : i32 to index
          %parallel_loop3A_186 = arith.constant 32 : index
          %parallel_loop3A_187 = tpu.vector_load %arg6[%parallel_loop3A_184, %parallel_loop3A_185, %parallel_loop3A_186] {strides = array<i32>} : memref<2x400x64xf32, #tpu.memory_space<vmem>>, vector<1x1x16xf32>,
          %parallel_loop3A_188 = vector.shape_cast %parallel_loop3A_187 : vector<1x1x16xf32> to vector<16xf32>
          %parallel_loop3A_189 = arith.addf %parallel_loop3A_158, %parallel_loop3A_188 : vector<16xf32>
          %parallel_loop3A_190 = arith.constant 50 : i32
          %parallel_loop3A_191 = arith.muli %add3A_92, %parallel_loop3A_190 : i32
          %parallel_loop3A_192 = arith.addi %parallel_loop3A_191, %parallel_loop3A_155 : i32
          %parallel_loop3A_193 = arith.constant 1 : i32
          %parallel_loop3A_194 = arith.index_cast %parallel_loop3A_193 : i32 to index
          %parallel_loop3A_195 = arith.index_cast %parallel_loop3A_192 : i32 to index
          %parallel_loop3A_196 = arith.constant 48 : index
          %parallel_loop3A_197 = tpu.vector_load %arg6[%parallel_loop3A_194, %parallel_loop3A_195, %parallel_loop3A_196] {strides = array<i32>} : memref<2x400x64xf32, #tpu.memory_space<vmem>>, vector<1x1x16xf32>,
          %parallel_loop3A_198 = vector.shape_cast %parallel_loop3A_197 : vector<1x1x16xf32> to vector<16xf32>
          %parallel_loop3A_199 = arith.addf %parallel_loop3A_159, %parallel_loop3A_198 : vector<16xf32>
          scf.yield %parallel_loop3A_169, %parallel_loop3A_179, %parallel_loop3A_189, %parallel_loop3A_199 : vector<16xf32>, vector<16xf32>, vector<16xf32>, vector<16xf32>
        } {sc.loop_unroll_factor = 7 : i64, sc.parallel_access}
        %swap3A = arith.constant 1 : i32
        %swap3A_128 = arith.index_cast %swap3A : i32 to index
        %swap3A_129 = arith.index_cast %add3A_92 : i32 to index
        %swap3A_130 = arith.constant 0 : index
        %swap3A_131 = tpu.vector_load %arg7[%swap3A_128, %swap3A_129, %swap3A_130] {strides = array<i32>} : memref<2x8x64xf32, #tpu.memory_space<vmem>>, vector<1x1x16xf32>,
        %swap3A_132 = vector.shape_cast %swap3A_131 : vector<1x1x16xf32> to vector<16xf32>
        %swap3A_133 = vector.shape_cast %parallel_loop3A_127#0 : vector<16xf32> to vector<1x1x16xf32>
        tpu.vector_store %arg7[%swap3A_128, %swap3A_129, %swap3A_130], %swap3A_133 {strides = array<i32>} : memref<2x8x64xf32, #tpu.memory_space<vmem>>, vector<1x1x16xf32>,
        %swap3A_134 = arith.constant 1 : i32
        %swap3A_135 = arith.index_cast %swap3A_134 : i32 to index
        %swap3A_136 = arith.index_cast %add3A_92 : i32 to index
        %swap3A_137 = arith.constant 16 : index
        %swap3A_138 = tpu.vector_load %arg7[%swap3A_135, %swap3A_136, %swap3A_137] {strides = array<i32>} : memref<2x8x64xf32, #tpu.memory_space<vmem>>, vector<1x1x16xf32>,
        %swap3A_139 = vector.shape_cast %swap3A_138 : vector<1x1x16xf32> to vector<16xf32>
        %swap3A_140 = vector.shape_cast %parallel_loop3A_127#1 : vector<16xf32> to vector<1x1x16xf32>
        tpu.vector_store %arg7[%swap3A_135, %swap3A_136, %swap3A_137], %swap3A_140 {strides = array<i32>} : memref<2x8x64xf32, #tpu.memory_space<vmem>>, vector<1x1x16xf32>,
        %swap3A_141 = arith.constant 1 : i32
        %swap3A_142 = arith.index_cast %swap3A_141 : i32 to index
        %swap3A_143 = arith.index_cast %add3A_92 : i32 to index
        %swap3A_144 = arith.constant 32 : index
        %swap3A_145 = tpu.vector_load %arg7[%swap3A_142, %swap3A_143, %swap3A_144] {strides = array<i32>} : memref<2x8x64xf32, #tpu.memory_space<vmem>>, vector<1x1x16xf32>,
        %swap3A_146 = vector.shape_cast %swap3A_145 : vector<1x1x16xf32> to vector<16xf32>
        %swap3A_147 = vector.shape_cast %parallel_loop3A_127#2 : vector<16xf32> to vector<1x1x16xf32>
        tpu.vector_store %arg7[%swap3A_142, %swap3A_143, %swap3A_144], %swap3A_147 {strides = array<i32>} : memref<2x8x64xf32, #tpu.memory_space<vmem>>, vector<1x1x16xf32>,
        %swap3A_148 = arith.constant 1 : i32
        %swap3A_149 = arith.index_cast %swap3A_148 : i32 to index
        %swap3A_150 = arith.index_cast %add3A_92 : i32 to index
        %swap3A_151 = arith.constant 48 : index
        %swap3A_152 = tpu.vector_load %arg7[%swap3A_149, %swap3A_150, %swap3A_151] {strides = array<i32>} : memref<2x8x64xf32, #tpu.memory_space<vmem>>, vector<1x1x16xf32>,
        %swap3A_153 = vector.shape_cast %swap3A_152 : vector<1x1x16xf32> to vector<16xf32>
        %swap3A_154 = vector.shape_cast %parallel_loop3A_127#3 : vector<16xf32> to vector<1x1x16xf32>
        tpu.vector_store %arg7[%swap3A_149, %swap3A_150, %swap3A_151], %swap3A_154 {strides = array<i32>} : memref<2x8x64xf32, #tpu.memory_space<vmem>>, vector<1x1x16xf32>,
      }
      %scan3A_83 = arith.constant 8 : i32
      %mul3A_84 = arith.constant 8 : i32
      %mul3A_85 = arith.muli %add3A_78, %mul3A_84 : i32
      %add3A_86 = arith.addi %mul3A_2, %mul3A_85 : i32
      %run_scoped3A_87 = arith.constant 1 : i32
      "tpu.region"() ({
        %run_scoped3A_88 = tpu.sem_alloc : memref<!tpu.dma_semaphore, #tpu.memory_space<semaphore_mem>>
        %dma_start3A_89 = arith.constant 0 : i32
        %dma_start3A_90 = arith.constant 0 : i32
        %dma_start3A_91 = tpu.memref_slice %arg7[%run_scoped3A_87, %dma_start3A_89, %dma_start3A_90] : memref<2x8x64xf32, #tpu.memory_space<vmem>> -> memref<1x8x64xf32, #tpu.memory_space<vmem>>
        %dma_start3A_92 = tpu.memref_squeeze %dma_start3A_91 : memref<1x8x64xf32, #tpu.memory_space<vmem>> -> memref<8x64xf32, #tpu.memory_space<vmem>>
        %dma_start3A_93 = arith.constant 0 : i32
        %dma_start3A_94 = tpu.memref_slice %arg4[%add3A_86, %dma_start3A_93] : memref<16384x64xf32, #tpu.memory_space<hbm>> -> memref<8x64xf32, #tpu.memory_space<hbm>>
        %dma_start3A_95 = arith.constant 0 : i32
        %dma_start3A_96 = tpu.memref_slice %arg4[%add3A_86, %dma_start3A_95] : memref<16384x64xf32, #tpu.memory_space<hbm>> -> memref<8x64xf32, #tpu.memory_space<hbm>>
        %dma_start3A_97 = arith.constant 0 : i32
        %dma_start3A_98 = arith.constant 0 : i32
        %dma_start3A_99 = tpu.memref_slice %arg7[%run_scoped3A_87, %dma_start3A_97, %dma_start3A_98] : memref<2x8x64xf32, #tpu.memory_space<vmem>> -> memref<1x8x64xf32, #tpu.memory_space<vmem>>
        %dma_start3A_100 = tpu.memref_squeeze %dma_start3A_99 : memref<1x8x64xf32, #tpu.memory_space<vmem>> -> memref<8x64xf32, #tpu.memory_space<vmem>>
        tpu.enqueue_dma source(%dma_start3A_100 : memref<8x64xf32, #tpu.memory_space<vmem>>) target(%dma_start3A_96 : memref<8x64xf32, #tpu.memory_space<hbm>>) target_semaphore(%run_scoped3A_88 : memref<!tpu.dma_semaphore, #tpu.memory_space<semaphore_mem>>)
        %dma_wait3A_101 = arith.constant 0 : i32
        %dma_wait3A_102 = arith.constant 0 : i32
        %dma_wait3A_103 = tpu.memref_slice %arg7[%run_scoped3A_87, %dma_wait3A_101, %dma_wait3A_102] : memref<2x8x64xf32, #tpu.memory_space<vmem>> -> memref<1x8x64xf32, #tpu.memory_space<vmem>>
        %dma_wait3A_104 = tpu.memref_squeeze %dma_wait3A_103 : memref<1x8x64xf32, #tpu.memory_space<vmem>> -> memref<8x64xf32, #tpu.memory_space<vmem>>
        %dma_wait3A_105 = arith.constant 0 : i32
        %dma_wait3A_106 = tpu.memref_slice %arg4[%add3A_86, %dma_wait3A_105] : memref<16384x64xf32, #tpu.memory_space<hbm>> -> memref<8x64xf32, #tpu.memory_space<hbm>>
        %dma_wait3A_107 = arith.constant 0 : i32
        %dma_wait3A_108 = tpu.memref_slice %arg4[%add3A_86, %dma_wait3A_107] : memref<16384x64xf32, #tpu.memory_space<hbm>> -> memref<8x64xf32, #tpu.memory_space<hbm>>
        %dma_wait3A_109 = arith.constant 0 : i32
        %dma_wait3A_110 = arith.constant 0 : i32
        %dma_wait3A_111 = tpu.memref_slice %arg7[%run_scoped3A_87, %dma_wait3A_109, %dma_wait3A_110] : memref<2x8x64xf32, #tpu.memory_space<vmem>> -> memref<1x8x64xf32, #tpu.memory_space<vmem>>
        %dma_wait3A_112 = tpu.memref_squeeze %dma_wait3A_111 : memref<1x8x64xf32, #tpu.memory_space<vmem>> -> memref<8x64xf32, #tpu.memory_space<vmem>>
        tpu.wait_dma2 semaphore(%run_scoped3A_88 : memref<!tpu.dma_semaphore, #tpu.memory_space<semaphore_mem>>) src(%dma_wait3A_112 : memref<8x64xf32, #tpu.memory_space<vmem>>) dst(%dma_wait3A_108 : memref<8x64xf32, #tpu.memory_space<hbm>>)
        tpu.yield
      }) : () -> ()
    }
    %scan3A_21 = arith.constant 32 : i32
    return
  }
}

module attributes {stable_mosaic.version = 14 : i64} {
  func.func @body(%arg0: i32, %arg1: memref<64x6144xf32, #tpu.memory_space<vmem>>, %arg2: memref<64x6144xf32, #tpu.memory_space<vmem>>, %arg3: memref<6144x128xf32, #tpu.memory_space<vmem>>) attributes {dimension_semantics = [#tpu.dimension_semantics<arbitrary>], iteration_bounds = array<i64: 82>, scalar_prefetch = 0 : i64, scratch_operands = 0 : i64, tpu.core_type = #tpu.core_type<tc>, window_params = [{transform_indices = @transform_0, window_bounds = array<i64: 64, 6144>}, {transform_indices = @transform_1, window_bounds = array<i64: 64, 6144>}, {transform_indices = @transform_2, window_bounds = array<i64: 6144, 128>}]} {
    %get3A = arith.constant 0 : index
    %get3A_0 = arith.constant 0 : index
    %get3A_1 = vector.load %arg1[%get3A, %get3A_0] : memref<64x6144xf32, #tpu.memory_space<vmem>>, vector<64x6144xf32>
    %transpose3A = tpu.transpose %get3A_1, [1, 0] : vector<64x6144xf32> -> vector<6144x64xf32>
    %swap3A = arith.constant 0 : index
    %swap3A_2 = arith.constant 0 : index
    %swap3A_3 = vector.load %arg3[%swap3A, %swap3A_2] : memref<6144x128xf32, #tpu.memory_space<vmem>>, vector<6144x64xf32>
    tpu.vector_store %arg3[%swap3A, %swap3A_2], %transpose3A {strides = array<i32>} : memref<6144x128xf32, #tpu.memory_space<vmem>>, vector<6144x64xf32>,
    %get3A_4 = arith.constant 0 : index
    %get3A_5 = arith.constant 0 : index
    %get3A_6 = vector.load %arg2[%get3A_4, %get3A_5] : memref<64x6144xf32, #tpu.memory_space<vmem>>, vector<64x6144xf32>
    %transpose3A_7 = tpu.transpose %get3A_6, [1, 0] : vector<64x6144xf32> -> vector<6144x64xf32>
    %swap3A_8 = arith.constant 0 : index
    %swap3A_9 = arith.constant 64 : index
    %swap3A_10 = vector.load %arg3[%swap3A_8, %swap3A_9] : memref<6144x128xf32, #tpu.memory_space<vmem>>, vector<6144x64xf32>
    tpu.vector_store %arg3[%swap3A_8, %swap3A_9], %transpose3A_7 {strides = array<i32>} : memref<6144x128xf32, #tpu.memory_space<vmem>>, vector<6144x64xf32>,
    %eq3A = arith.constant 0 : i32
    %eq3A_11 = arith.cmpi eq, %arg0, %eq3A : i32
    %convert_element_type3A = arith.extui %eq3A_11 : i1 to i32
    %cond3A = arith.constant 0 : i32
    %cond3A_12 = arith.cmpi ne, %convert_element_type3A, %cond3A : i32
    scf.if %cond3A_12 {
      %broadcast_in_dim3A = arith.constant 0.000000e+00 : f32
      %broadcast_in_dim3A_13 = vector.broadcast %broadcast_in_dim3A : f32 to vector<1x64xf32>
      %swap3A_14 = arith.constant 0 : index
      %swap3A_15 = arith.constant 0 : index
      %swap3A_16 = vector.load %arg3[%swap3A_14, %swap3A_15] : memref<6144x128xf32, #tpu.memory_space<vmem>>, vector<1x64xf32>
      tpu.vector_store %arg3[%swap3A_14, %swap3A_15], %broadcast_in_dim3A_13 {strides = array<i32>} : memref<6144x128xf32, #tpu.memory_space<vmem>>, vector<1x64xf32>,
    } else {
    }
    return
  }
  func.func @transform_0(%arg0: i32) -> (i32, i32) {
    %c0_i32 = arith.constant 0 : i32
    %c0_i32_0 = arith.constant 0 : i32
    return %c0_i32, %arg0 : i32, i32
  }
  func.func @transform_1(%arg0: i32) -> (i32, i32) {
    %add3A = arith.constant 82 : i32
    %add3A_0 = arith.addi %arg0, %add3A : i32
    %min3A = arith.constant 162 : i32
    %min3A_1 = arith.minsi %add3A_0, %min3A : i32
    %c0_i32 = arith.constant 0 : i32
    %c0_i32_2 = arith.constant 0 : i32
    return %c0_i32, %min3A_1 : i32, i32
  }
  func.func @transform_2(%arg0: i32) -> (i32, i32) {
    %c0_i32 = arith.constant 0 : i32
    %c0_i32_0 = arith.constant 0 : i32
    return %arg0, %c0_i32 : i32, i32
  }
}

module attributes {stable_mosaic.version = 14 : i64} {
  func.func @body(%arg0: i32, %arg1: memref<2048x64xf32, #tpu.memory_space<vmem>>, %arg2: memref<50x64xf32, #tpu.memory_space<vmem>>, %arg3: memref<1x50xf32, #tpu.memory_space<vmem>>, %arg4: memref<2048x50xf32, #tpu.memory_space<vmem>>) attributes {dimension_semantics = [#tpu.dimension_semantics<arbitrary>], iteration_bounds = array<i64: 8>, scalar_prefetch = 0 : i64, scratch_operands = 0 : i64, tpu.core_type = #tpu.core_type<tc>, window_params = [{transform_indices = @transform_0, window_bounds = array<i64: 2048, 64>}, {pipeline_mode = #tpu.pipeline_mode<synchronous>, transform_indices = @transform_1, window_bounds = array<i64: 50, 64>}, {pipeline_mode = #tpu.pipeline_mode<synchronous>, transform_indices = @transform_2, window_bounds = array<i64: 1, 50>}, {transform_indices = @transform_3, window_bounds = array<i64: 2048, 50>}]} {
    %get3A = arith.constant 0 : index
    %get3A_0 = arith.constant 0 : index
    %get3A_1 = vector.load %arg1[%get3A, %get3A_0] : memref<2048x64xf32, #tpu.memory_space<vmem>>, vector<2048x64xf32>
    %mul3A = arith.constant 2.000000e-02 : f32
    %mul3A_2 = vector.broadcast %mul3A : f32 to vector<2048x64xf32>
    %mul3A_3 = arith.mulf %get3A_1, %mul3A_2 : vector<2048x64xf32>
    %get3A_4 = arith.constant 0 : index
    %get3A_5 = arith.constant 0 : index
    %get3A_6 = vector.load %arg2[%get3A_4, %get3A_5] : memref<50x64xf32, #tpu.memory_space<vmem>>, vector<50x64xf32>
    %dot_general3A = arith.constant dense<0.000000e+00> : vector<2048x50xf32>
    %dot_general3A_7 = tpu.matmul %mul3A_3, %get3A_6, %dot_general3A {dimension_numbers = #tpu.dot_dimension_numbers<[1], [1], [0], [0], [0, 0, 1, 0], [], []>, transpose_lhs_hint = false} : vector<2048x64xf32>, vector<50x64xf32>, vector<2048x50xf32> -> vector<2048x50xf32>
    %get3A_8 = arith.constant 0 : index
    %get3A_9 = arith.constant 0 : index
    %get3A_10 = vector.load %arg3[%get3A_8, %get3A_9] : memref<1x50xf32, #tpu.memory_space<vmem>>, vector<1x50xf32>
    %add3A = vector.broadcast %get3A_10 : vector<1x50xf32> to vector<2048x50xf32>
    %add3A_11 = arith.addf %dot_general3A_7, %add3A : vector<2048x50xf32>
    %swap3A = arith.constant 0 : index
    %swap3A_12 = arith.constant 0 : index
    %swap3A_13 = vector.load %arg4[%swap3A, %swap3A_12] : memref<2048x50xf32, #tpu.memory_space<vmem>>, vector<2048x50xf32>
    tpu.vector_store %arg4[%swap3A, %swap3A_12], %add3A_11 {strides = array<i32>} : memref<2048x50xf32, #tpu.memory_space<vmem>>, vector<2048x50xf32>,
    return
  }
  func.func @transform_0(%arg0: i32) -> (i32, i32) {
    %c0_i32 = arith.constant 0 : i32
    %c0_i32_0 = arith.constant 0 : i32
    return %arg0, %c0_i32 : i32, i32
  }
  func.func @transform_1(%arg0: i32) -> (i32, i32) {
    %c0_i32 = arith.constant 0 : i32
    %c0_i32_0 = arith.constant 0 : i32
    %c0_i32_1 = arith.constant 0 : i32
    return %c0_i32, %c0_i32_0 : i32, i32
  }
  func.func @transform_2(%arg0: i32) -> (i32, i32) {
    %c0_i32 = arith.constant 0 : i32
    %c0_i32_0 = arith.constant 0 : i32
    %c0_i32_1 = arith.constant 0 : i32
    return %c0_i32, %c0_i32_0 : i32, i32
  }
  func.func @transform_3(%arg0: i32) -> (i32, i32) {
    %c0_i32 = arith.constant 0 : i32
    %c0_i32_0 = arith.constant 0 : i32
    return %arg0, %c0_i32 : i32, i32
  }
}

</mosaic_0001>

<sc_bundles>
// kernel: kernel.5.cloned.1.call-start
scs
__scs_entry_jumppad:
0x0: {  	(pc) =	sbr.rel $0x88, $3  }
0x1: {  	(tag) =	ssettag $0x0;
	lr =	simm.s32 $0x1  }
0x2: {  	[smem:$0x3F9D] =	sst lr;
	_ =	strace $0xD0000000  }
0x3: {  	_ = 	snop  }
0x4: {  	_ = 	snop  }
0x5: {  	_ = 	snop  }
0x6: {  	_ = 	snop  }
0x7: {  	_ = 	snop  }
__scs_overlays_trampoline_lowered:
0x8: {  	[smem:$0x3FAC] =	sst s0  }
0x9: {  	[smem:$0x3FAD] =	sst s1  }
0xa: {  	[smem:$0x3FAE] =	sst s2  }
0xb: {  	[smem:$0x3FAF] =	sst s3  }
0xc: {  	[smem:$0x3FB0] =	sst s4  }
0xd: {  	[smem:$0x3FB1] =	sst s5  }
0xe: {  	[smem:$0x3FB2] =	sst s6  }
0xf: {  	[smem:$0x3FB3] =	sst s7  }
0x10: {  	[smem:$0x3FB4] =	sst s8  }
0x11: {  	[smem:$0x3FB5] =	sst s9;
	s0 =	simm.s32 @!p0 $0x0  }
0x12: {  	s1 =	sld [smem:$0x3F9B];
	s0 =	simm.s32 @p0 $0x1  }
0x13: {  	[smem:$0x3FB6] =	sst s0;
	s0 =	simm.s32 @!p1 $0x0  }
0x14: {  	s2 =	sld [smem:$0x3F9A];
	s0 =	simm.s32 @p1 $0x1  }
0x15: {  	[smem:$0x3FB7] =	sst s0;
	s0 =	simm.s32 @!p2 $0x0  }
0x16: {  	s3 =	sld [smem:$0x3FDB];
	s0 =	simm.s32 @p2 $0x1  }
0x17: {  	s4 =	simm.s32 $0x1BF5;
	[smem:$0x3FB9] =	sst s0  }
0x18: {  	s0 =	sld [smem:$0x3F9C];
	_ =	swait.ge [sflag:s4], $0x0  }
0x19: {  	s7 =	sld [smem:$0x3F9D]  }
0x1a: {  	s8 =	sadd.s32 $0xFFFFE003, lr  }
0x1b: {  	s9 =	sadd.s32 $0xFFFFFEF7, lr;
	s5 =	simm.s32 $0xFFFFFFFF;
	p2 =	slt.u32 s8, $0xFFFFF086  }
0x1c: {  	p1 =	slt.u32 s9, $0xF7A;
	s5 =	simm.s32 @!p2 $0x0  }
0x1d: {  	s5 =	simm.s32 @p1 $0x1;
	p0 =	seq.s32 s7, s2  }
0x1e: {  	s7 =	smul.u32 @!p0 $0xF7A, s2;
	p2 =	seq.s32 @!p0 s5, $0x0  }
0x1f: {  	s9 =	smul.u32 $0xF7A, s1;
	s8 =	simm.s32 @!p0 $0x1BF5;
	p2 =	por !p2, p0  }
0x20: {  	[sflag:s8] =	ssyncset.s32 @!p0 $0xFFFFF086;
	s6 =	sadd.s32 @!p0 s3, s7;
	s7 =	simm.s32 @!p0 $0x108  }
0x21: {  	s3 =	sadd.s32 s3, s9;
	s6 =	sadd.s32 @!p0 $0x88, s6;
	s7 =	simm.s32 @p2 $0x1082  }
0x22: {  	[simem:s7], [sflag:s8] =	dma.local @!p0 [hbm:s6], $0xF7A  }
0x23: {  	s9 =	sor.u32 $0xD0000000, s2;
	s6 =	simm.s32 $0x108;
	_ =	swait.ge @!p0 [sflag:s8], $0x0  }
0x24: {  	s3 =	sadd.s32 $0x88, s3;
	s6 =	simm.s32 @!p1 $0x1082;
	[sflag:s4] =	ssyncset.s32 $0xFFFFF086  }
0x25: {  	[simem:s6], [sflag:s4] =	dma.local [hbm:s3], $0xF7A  }
0x26: {  	[smem:$0x3F9D] =	sst s1;
	(tag) =	ssettag s2;
	_ =	strace s9  }
0x27: {  	s1 =	sld [smem:$0x3FAD]  }
0x28: {  	s2 =	sld [smem:$0x3FAE]  }
0x29: {  	s4 =	sld [smem:$0x3FB0]  }
0x2a: {  	p0 =	seq.s32 s5, $0x0;
	s5 =	sld [smem:$0x3FB1]  }
0x2b: {  	s6 =	sld [smem:$0x3FB2]  }
0x2c: {  	s7 =	sld [smem:$0x3FB3]  }
0x2d: {  	s3 =	simm.s32 $0x108;
	s8 =	sld [smem:$0x3FB4]  }
0x2e: {  	s3 =	simm.s32 @!p0 $0x1082;
	s9 =	sld [smem:$0x3FB5]  }
0x2f: {  	lr =	sadd.s32 s0, s3;
	s0 =	sld [smem:$0x3FAC]  }
0x30: {  	s3 =	sld [smem:$0x3FAF]  }
0x31: {  	[smem:$0x3FB8] =	sst s10  }
0x32: {  	s10 =	sld [smem:$0x3FB6];
	_ =	sdelay $0x3  }
0x33: {  	p0 =	seq.s32 s10, $0x1;
	s10 =	sld [smem:$0x3FB8];
	_ =	sdelay $0x3  }
0x34: {  	[smem:$0x3FB8] =	sst s10  }
0x35: {  	s10 =	sld [smem:$0x3FB7];
	_ =	sdelay $0x3  }
0x36: {  	p1 =	seq.s32 s10, $0x1;
	s10 =	sld [smem:$0x3FB8];
	_ =	sdelay $0x3  }
0x37: {  	[smem:$0x3FB8] =	sst s10  }
0x38: {  	s10 =	sld [smem:$0x3FB9]  }
0x39: {  	_ = 	snop;
	(pc) =	sbr.ind lr, $3  }
0x3a: {  	_ = 	snop  }
0x3b: {  	_ = 	snop  }
0x3c: {  	p2 =	seq.s32 s10, $0x1;
	s10 =	sld [smem:$0x3FB8]  }
0x3d: {  	_ =	shalt  }
0x3e: {  	_ =	shalt  }
0x3f: {  	_ =	shalt  }
0x40: {  	_ =	shalt  }
0x41: {  	_ =	shalt  }
0x42: {  	_ =	shalt  }
0x43: {  	_ =	shalt  }
0x44: {  	_ =	shalt  }
0x45: {  	_ =	shalt  }
0x46: {  	_ =	shalt  }
0x47: {  	_ =	shalt  }
0x48: {  	_ =	shalt  }
0x49: {  	_ =	shalt  }
0x4a: {  	_ =	shalt  }
0x4b: {  	_ =	shalt  }
0x4c: {  	_ =	shalt  }
0x4d: {  	_ =	shalt  }
0x4e: {  	_ =	shalt  }
0x4f: {  	_ =	shalt  }
0x50: {  	_ =	shalt  }
0x51: {  	_ =	shalt  }
0x52: {  	_ =	shalt  }
0x53: {  	_ =	shalt  }
0x54: {  	_ =	shalt  }
0x55: {  	_ =	shalt  }
0x56: {  	_ =	shalt  }
0x57: {  	_ =	shalt  }
0x58: {  	_ =	shalt  }
0x59: {  	_ =	shalt  }
0x5a: {  	_ =	shalt  }
0x5b: {  	_ =	shalt  }
0x5c: {  	_ =	shalt  }
0x5d: {  	_ =	shalt  }
0x5e: {  	_ =	shalt  }
0x5f: {  	_ =	shalt  }
0x60: {  	_ =	shalt  }
0x61: {  	_ =	shalt  }
0x62: {  	_ =	shalt  }
0x63: {  	_ =	shalt  }
0x64: {  	_ =	shalt  }
0x65: {  	_ =	shalt  }
0x66: {  	_ =	shalt  }
0x67: {  	_ =	shalt  }
0x68: {  	_ =	shalt  }
0x69: {  	_ =	shalt  }
0x6a: {  	_ =	shalt  }
0x6b: {  	_ =	shalt  }
0x6c: {  	_ =	shalt  }
0x6d: {  	_ =	shalt  }
0x6e: {  	_ =	shalt  }
0x6f: {  	_ =	shalt  }
0x70: {  	_ =	shalt  }
0x71: {  	_ =	shalt  }
0x72: {  	_ =	shalt  }
0x73: {  	_ =	shalt  }
0x74: {  	_ =	shalt  }
0x75: {  	_ =	shalt  }
0x76: {  	_ =	shalt  }
0x77: {  	_ =	shalt  }
0x78: {  	_ =	shalt  }
0x79: {  	_ =	shalt  }
0x7a: {  	_ =	shalt  }
0x7b: {  	_ =	shalt  }
0x7c: {  	_ =	shalt  }
0x7d: {  	_ =	shalt  }
0x7e: {  	_ =	shalt  }
0x7f: {  	_ =	shalt  }
0x80: {  	_ =	shalt  }
0x81: {  	_ =	shalt  }
0x82: {  	_ =	shalt  }
0x83: {  	_ =	shalt  }
0x84: {  	_ =	shalt  }
0x85: {  	_ =	shalt  }
0x86: {  	_ =	shalt  }
0x87: {  	_ =	shalt  }
.Lfunc_end0:
.L_simem_size_0:
called_computation_lowered:
.L_overlay_start_0:
0x88: {  	s2 =	sld [smem:$0x3FD9]  }
0x89: {  	s3 =	sld [smem:$0x3FFE];
	_ =	sdelay $0x1  }
0x8a: {  	s1 =	srdreg.scid  }
0x8b: {  	s0 =	sand.u32 $0x1, s1  }
0x8c: {  	s17 =	sshll.u32 s0, $0xA;
	s2 =	sadd.s32 s3, s2  }
0x8d: {  	s2 =	sadd.s32 s2, s17  }
0x8e: {  	[smem:$0x3FC4] =	sst s2  }
0x8f: {  	_ = 	snop  }
0x90: {  	s2 =	sld [smem:$0x3FD0];
	(tm) =	ssettm $0x1  }
0x91: {  	s18 =	sld [smem:$0x3FFB];
	_ =	sdelay $0x3  }
0x92: {  	_ =	strace s18  }
0x93: {  	s3 =	sld [smem:$0x3FFC];
	_ =	sdelay $0x3  }
0x94: {  	_ =	strace s3  }
0x95: {  	s3 =	sld [smem:$0x3FFD];
	_ =	sdelay $0x3  }
0x96: {  	_ =	strace s3  }
0x97: {  	_ =	strace $0x8FFFFFFF  }
0x98: {  	s19 =	sld [smem:$0x3FDB];
	_ =	sdelay $0x1  }
0x99: {  	s4 =	simm.s32 $_scs_section_size  }
0x9a: {  	s5 =	simm.s32 $_size__tile_overlayer_lowered;
	s6 =	simm.s32 $_tile_overlayer_lowered  }
0x9b: {  	s22 =	simm.s32 $0x1BFF;
	s21 =	sshll.u32 s6, $0x1;
	s3 =	sadd.s32 s4, s19  }
0x9c: {  	s7 =	simm.s32 $0x0;
	s20 =	sshll.u32 s5, $0x1;
	s5 =	sadd.s32 s21, s3  }
0x9d: {  	[timem:s7], [sflag:s22] =	dma.local [hbm:s5], s20  }
0x9e: {  	_ =	swait.ge [sflag:s22], s20  }
0x9f: {  	s4 =	ssub.s32 $0x0, s20;
	[sflag:s22] =	ssyncset.done $0x0  }
0xa0: {  	[sflag:s22] =	ssyncadd.s32 s4;
	_ =	sdelay $0x1  }
0xa1: {  	s23 =	simm.s32 $0x1B8B  }
0xa2: {  	_ =	swait.ge [sflag:s23], $0x1  }
0xa3: {  	[sflag:s23] =	ssyncset.done $0x0  }
0xa4: {  	s25 =	simm.s32 $0x1B8E;
	s24 =	sld [smem:$0x3FFE];
	[sflag:s23] =	ssyncadd.s32 $0xFFFFFFFF  }
0xa5: {  	s26 =	simm.s32 $execute0_lowered;
	[smem:$0x3FD2] =	sst s25  }
0xa6: {  	s5 =	sshll.u32 s26, $0x1;
	_ =	strace $0x80000046;
	[dreg:$0x1] =	wrdreg $0xFFFFFFFF  }
0xa7: {  	s28 =	simm.s32 $_size_execute0_lowered;
	s3 =	sadd.s32 s3, s5;
	[dreg:$0x0] =	wrdreg $0x0  }
0xa8: {  	s5 =	sshll.u32 s28, $0x1;
	[dreg:$0x2] =	wrdreg s3  }
0xa9: {  	[dreg:$0x3] =	wrdreg s5  }
0xaa: {  	[dreg:$0x4] =	wrdreg $0xC0  }
0xab: {  	_ =	task [dreg:s7], $0x5FFFF  }
0xac: {  	[dreg:$0x1] =	wrdreg $0xFFFFFFFF  }
0xad: {  	[dreg:$0x0] =	wrdreg $0x60  }
0xae: {  	[dreg:$0x2] =	wrdreg s24  }
0xaf: {  	[dreg:$0x3] =	wrdreg s2  }
0xb0: {  	[dreg:$0x4] =	wrdreg $0x9  }
0xb1: {  	_ =	task.clear_ibuf [dreg:s7], $0x5FFFF;
	_ =	strace $0x90000046  }
0xb2: {  	s29 =	simm.s32 $0x9;
	_ =	strace $0x80000048  }
0xb3: {  	_ =	swait.ge [sflag:s29], $0x1  }
0xb4: {  	[sflag:s29] =	ssyncadd.s32 $0xFFFFFFFF  }
0xb5: {  	_ =	strace $0x90000048  }
0xb6: {  	_ =	sfence  }
0xb7: {  	s30 =	sld [smem:$0x0];
	_ =	sdelay $0x2  }
0xb8: {  	s31 =	sshll.u32 s1, $0xD;
	s1 =	sshrl.u32 s1, $0x2  }
0xb9: {  	s3 =	sand.u32 $0x4000, s31;
	s1 =	sadd.s32 s1, s30  }
0xba: {  	s0 =	sor.u32 s3, s0;
	s1 =	sshll.u32 s1, $0x11  }
0xbb: {  	s0 =	sor.u32 s1, s0  }
0xbc: {  	s0 =	sadd.s32 $0x8F2B, s0  }
0xbd: {  	[sflag:s0] =	ssyncadd.remote.s32 $0x1  }
0xbe: {  	_ =	sfence.sel $0xFFFF  }
0xbf: {  	[dreg:$0x0] =	wrdreg $0xFFFFFFFF;
	(pc) =	sbr.abs _section_cstart, $3  }
0xc0: {  	[dreg:$0x1] =	wrdreg $0xFFFFFFFF  }
0xc1: {  	_ =	task.clear_ibuf [dreg:s7], $0x2FFFF;
	_ =	strace $0x9FFFFFFF  }
0xc2: {  	(tm) =	ssettm $0x7FFFFFFF  }
0xc3: {  	_ =	shalt  }
tec
execute0_lowered:
.L_overlay_start_1:
0x0: {  	(tag) =	ssettag $0x1  }
0x1: {  	s4 =	rddreg [dreg:$0x0]  }
0x2: {  	s5 =	rddreg [dreg:$0x1]  }
0x3: {  	s0 =	rddreg [dreg:$0x2]  }
0x4: {  	s2 =	simm.s32 $0x0;
	s3 =	srdreg.scid;
	s1 =	stileid.u32  }
0x5: {  	s10 =	simm.s32 $0xC800;
	s11 =	simm.s32 $0x1;
	s12 =	simm.s32 $0x12C00  }
0x6: {  	s13 =	simm.s32 $0x2;
	s14 =	simm.s32 $0x12E00;
	s15 =	simm.s32 $0x0  }
0x7: {  	[smem:$0x7FF] =	sst s2;
	s3 =	sand.u32 $0x1, s3;
	s6 =	sshll.u32 s1, $0x1  }
0x8: {  	_ =	strace $0x80000047;
	s6 =	sor.u32 s3, s6;
	s7 =	ssub.s32 $0x2, s3  }
0x9: {  	s8 =	sshll.u32 s6, $0xC;
	s9 =	sshrl.u32 s7, $0x1;
	s6 =	smul.u32 $0xC80, s6  }
0xa: {  	s3 =	sadd.s32 $0x800, s4;
	s8 =	sadd.s32 s8, s4;
	s7 =	ssub.s32 s7, s9  }
0xb: {  	s9 =	simm.s32 $0x6400;
	s4 =	sadd.s32 s5, s6;
	s5 =	sadd.s32 $0x7B0800, s8  }
0xc: {  	s6 =	smax.u32 s7, $0x1;
	s7 =	simm.s32 $0x3;
	s8 =	simm.s32 $0x190  }
.LBB2_1:
0xd: {  	[tilespmem:s2], [sflag:$0x3] =	stream.linear.gather [hbm4b:s4+s2], $0x6400, $0x38;
	[tilespmem:$0x13000] =	vst v63  }
0xe: {  	_ =	swait.ge [sflag:s7], $0x6400  }
0xf: {  	[sflag:s7] =	ssyncset.done $0x0  }
0x10: {  	s16 =	simm.s32 $0x0;
	[sflag:s7] =	ssyncadd.s32 $0xFFFF9C00  }
0x11: {  	v0 =	vld [tilespmem:s16+$0x180]  }
0x12: {  	v1 =	vld [tilespmem:s16+$0x0]  }
0x13: {  	v2 =	vld [tilespmem:s16+$0x10]  }
0x14: {  	v3 =	vld [tilespmem:s16+$0x20]  }
0x15: {  	v4 =	vld [tilespmem:s16+$0x30]  }
0x16: {  	v5 =	vld [tilespmem:s16+$0x40]  }
0x17: {  	v7 =	vld [tilespmem:s16+$0x50]  }
0x18: {  	v8 =	vld [tilespmem:s16+$0x60]  }
0x19: {  	v9 =	vld [tilespmem:s16+$0xA0]  }
0x1a: {  	v10 =	vld [tilespmem:s16+$0xB0];
	v6 =	vshll.u32 v0, $0x1  }
0x1b: {  	v11 =	vld [tilespmem:s16+$0xC0];
	v15 =	vshll.u32 v1, $0x1;
	vm0 =	vlt.s32 v0, $0x7B000;
	v0 =	vadd.s32 $0xFFF0A001, v6  }
0x1c: {  	v17 =	vshll.u32 v2, $0x1;
	vm6 =	vlt.s32 v1, $0x7B000;
	v0 =	vsel vm0, v6, v0;
	v6 =	vld [tilespmem:s16+$0x70]  }
0x1d: {  	v12 =	vld [tilespmem:s16+$0xD0];
	v20 =	vshll.u32 v3, $0x1;
	vm7 =	vlt.s32 v2, $0x7B000;
	v24 =	vshll.u32 v4, $0x1  }
0x1e: {  	vm8 =	vlt.s32 v3, $0x7B000;
	v26 =	vshll.u32 v5, $0x1;
	vm9 =	vlt.s32 v4, $0x7B000  }
0x1f: {  	v28 =	vshll.u32 v7, $0x1;
	vm12 =	vlt.s32 v5, $0x7B000;
	v30 =	vshll.u32 v8, $0x1  }
0x20: {  	vm13 =	vlt.s32 v7, $0x7B000;
	vm14 =	vlt.s32 v8, $0x7B000;
	vm1 =	vlt.s32 v9, $0x7B000  }
0x21: {  	v5 =	vshll.u32 v11, $0x1;
	[tilespmem:s16+$0x180] =	vst v0;
	v0 =	vimm.s32 $0x0;
	vm0 =	vlt.s32 v6, $0x7B000  }
0x22: {  	v1 =	vld [tilespmem:s16+$0x80];
	vm2 =	vlt.s32 v10, $0x7B000;
	v8 =	vshll.u32 v12, $0x1;
	v0 =	vsel vm0, $0xFFFFFFFF, v0  }
0x23: {  	v3 =	vld [tilespmem:s16+$0x90];
	vm3 =	vlt.s32 v11, $0x7B000;
	vm4 =	vlt.s32 v12, $0x7B000;
	v16 =	vadd.s32 $0xFFF0A001, v15;
	[tilespmem:$0x1FFF0] =	vst v0  }
0x24: {  	v18 =	vadd.s32 $0xFFF0A001, v17;
	v21 =	vadd.s32 $0xFFF0A001, v20;
	v25 =	vadd.s32 $0xFFF0A001, v24;
	v13 =	vld [tilespmem:s16+$0xE0]  }
0x25: {  	v27 =	vadd.s32 $0xFFF0A001, v26;
	v29 =	vadd.s32 $0xFFF0A001, v28;
	v31 =	vadd.s32 $0xFFF0A001, v30;
	v19 =	vld [tilespmem:s16+$0xF0]  }
0x26: {  	v7 =	vadd.s32 $0xFFF0A001, v5;
	v42 =	vsel vm6, v15, v16;
	v44 =	vsel vm7, v17, v18;
	v22 =	vld [tilespmem:s16+$0x100]  }
0x27: {  	v35 =	vsel vm8, v20, v21;
	v36 =	vsel vm9, v24, v25;
	v34 =	vsel vm12, v26, v27;
	v23 =	vld [tilespmem:s16+$0x110]  }
0x28: {  	v21 =	vsel vm13, v28, v29;
	v38 =	vshll.u32 v1, $0x1;
	vm11 =	vlt.s32 v1, $0x7B000;
	v33 =	vld [tilespmem:s16+$0x120]  }
0x29: {  	v1 =	vshll.u32 v9, $0x1;
	v39 =	vadd.s32 $0xFFF0A001, v38;
	v32 =	vshll.u32 v6, $0x1;
	v40 =	vld [tilespmem:s16+$0x130]  }
0x2a: {  	v4 =	vadd.s32 $0xFFF0A001, v1;
	v20 =	vsel vm11, v38, v39;
	v37 =	vadd.s32 $0xFFF0A001, v32;
	v41 =	vld [tilespmem:s16+$0x140]  }
0x2b: {  	vm0 =	vlt.s32 v3, $0x7B000;
	v0 =	vshll.u32 v3, $0x1;
	v3 =	vshll.u32 v10, $0x1;
	v43 =	vld [tilespmem:s16+$0x150]  }
0x2c: {  	v10 =	vadd.s32 $0xFFF0A001, v8;
	v2 =	vadd.s32 $0xFFF0A001, v0;
	v6 =	vadd.s32 $0xFFF0A001, v3;
	v45 =	vld [tilespmem:s16+$0x160]  }
0x2d: {  	v46 =	vld [tilespmem:s16+$0x170];
	v9 =	vshll.u32 v13, $0x1;
	v11 =	vshll.u32 v19, $0x1;
	vm5 =	vlt.s32 v13, $0x7B000  }
0x2e: {  	v17 =	vld [tilespmem:$0x1FFF0];
	v14 =	vshll.u32 v22, $0x1;
	vm6 =	vlt.s32 v19, $0x7B000;
	v15 =	vshll.u32 v23, $0x1  }
0x2f: {  	vm7 =	vlt.s32 v22, $0x7B000;
	v18 =	vshll.u32 v33, $0x1;
	vm8 =	vlt.s32 v23, $0x7B000  }
0x30: {  	v23 =	vshll.u32 v40, $0x1;
	vm10 =	vlt.s32 v33, $0x7B000;
	v24 =	vshll.u32 v41, $0x1  }
0x31: {  	vm12 =	vlt.s32 v40, $0x7B000;
	v26 =	vshll.u32 v43, $0x1;
	vm15 =	vlt.s32 v41, $0x7B000  }
0x32: {  	v29 =	vshll.u32 v45, $0x1;
	v33 =	vsel vm14, v30, v31;
	vm9 =	vlt.s32 v43, $0x7B000  }
0x33: {  	v30 =	vshll.u32 v46, $0x1;
	vm13 =	vnez.u8 v17;
	vm14 =	vlt.s32 v46, $0x7B000  }
0x34: {  	v12 =	vadd.s32 $0xFFF0A001, v9;
	v13 =	vadd.s32 $0xFFF0A001, v11;
	v16 =	vadd.s32 $0xFFF0A001, v14  }
0x35: {  	v19 =	vadd.s32 $0xFFF0A001, v15;
	v22 =	vadd.s32 $0xFFF0A001, v18;
	v25 =	vadd.s32 $0xFFF0A001, v23  }
0x36: {  	[tilespmem:s16+$0x0] =	vst v42;
	v27 =	vadd.s32 $0xFFF0A001, v24;
	v28 =	vadd.s32 $0xFFF0A001, v26;
	v31 =	vadd.s32 $0xFFF0A001, v29  }
0x37: {  	s17 =	simm.s32 $0x190;
	s18 =	simm.s32 $0xC80;
	[tilespmem:s16+$0x10] =	vst v44;
	v17 =	vsel vm13, v32, v37;
	vm13 =	vlt.s32 v45, $0x7B000;
	v32 =	vadd.s32 $0xFFF0A001, v30  }
.LBB2_2:
0x38: {  	v37 =	vld [tilespmem:s17+$0x180];
	[tilespmem:s16+$0x20] =	vst v35  }
0x39: {  	v0 =	vsel vm0, v0, v2;
	v2 =	vsel vm2, v3, v6;
	v3 =	vld [tilespmem:s17+$0x0];
	[tilespmem:s16+$0x30] =	vst v36  }
0x3a: {  	v1 =	vsel vm1, v1, v4;
	v4 =	vsel vm3, v5, v7;
	v5 =	vsel vm4, v8, v10;
	v7 =	vld [tilespmem:s17+$0x10];
	[tilespmem:s16+$0x40] =	vst v34  }
0x3b: {  	v6 =	vsel vm5, v9, v12;
	v8 =	vsel vm6, v11, v13;
	v9 =	vsel vm7, v14, v16;
	v11 =	vld [tilespmem:s17+$0x20];
	[tilespmem:s16+$0x50] =	vst v21  }
0x3c: {  	v10 =	vsel vm8, v15, v19;
	v12 =	vsel vm10, v18, v22;
	v13 =	vsel vm12, v23, v25;
	v15 =	vld [tilespmem:s17+$0x30];
	[tilespmem:s16+$0x60] =	vst v33  }
0x3d: {  	v14 =	vsel vm15, v24, v27;
	v16 =	vsel vm9, v26, v28;
	v22 =	vld [tilespmem:s17+$0x40];
	v23 =	vshll.u32 v37, $0x1;
	[tilespmem:s16+$0x70] =	vst v17  }
0x3e: {  	vm0 =	vlt.s32 v37, $0x7B000;
	v17 =	vshll.u32 v3, $0x1;
	v24 =	vld [tilespmem:s17+$0x50];
	v25 =	vadd.s32 $0xFFF0A001, v23;
	[tilespmem:s16+$0x80] =	vst v20  }
0x3f: {  	v26 =	vld [tilespmem:s17+$0x60];
	v23 =	vsel vm0, v23, v25;
	[tilespmem:s16+$0x90] =	vst v0;
	vm0 =	vlt.s32 v3, $0x7B000;
	v0 =	vimm.s32 $0x0  }
0x40: {  	v3 =	vimm.s32 $0x0;
	v0 =	vsel vm0, $0xFFFFFFFF, v0;
	[tilespmem:s17+$0x180] =	vst v23;
	vm0 =	vlt.s32 v7, $0x7B000  }
0x41: {  	[tilespmem:$0x1FF60] =	vst v0;
	v3 =	vsel vm0, $0xFFFFFFFF, v3  }
0x42: {  	v0 =	vld [tilespmem:s17+$0x70];
	[tilespmem:$0x1FF70] =	vst v3  }
0x43: {  	vm0 =	vlt.s32 v11, $0x7B000;
	v3 =	vld [tilespmem:s17+$0x80];
	[tilespmem:s16+$0xA0] =	vst v1;
	v1 =	vimm.s32 $0x0  }
0x44: {  	v21 =	vshll.u32 v7, $0x1;
	v1 =	vsel vm0, $0xFFFFFFFF, v1;
	v7 =	vld [tilespmem:s17+$0x90];
	[tilespmem:s16+$0xB0] =	vst v2  }
0x45: {  	v63 =	vld [tilespmem:$0x1FF60];
	[tilespmem:$0x1FF80] =	vst v1  }
0x46: {  	v58 =	vshll.u32 v11, $0x1;
	vm0 =	vlt.s32 v15, $0x7B000;
	v1 =	vimm.s32 $0x0;
	v11 =	vld [tilespmem:s17+$0xA0];
	[tilespmem:s16+$0xC0] =	vst v4  }
0x47: {  	v60 =	vshll.u32 v15, $0x1;
	v1 =	vsel vm0, $0xFFFFFFFF, v1;
	v15 =	vld [tilespmem:s17+$0xB0];
	[tilespmem:s16+$0xD0] =	vst v5  }
0x48: {  	[tilespmem:$0x1FF90] =	vst v1  }
0x49: {  	v38 =	vshll.u32 v22, $0x1;
	vm0 =	vlt.s32 v22, $0x7B000;
	v1 =	vimm.s32 $0x0;
	v22 =	vld [tilespmem:s17+$0xC0];
	[tilespmem:s16+$0xE0] =	vst v6  }
0x4a: {  	v20 =	vadd.s32 $0xFFF0A001, v17;
	v1 =	vsel vm0, $0xFFFFFFFF, v1;
	v23 =	vld [tilespmem:s17+$0xD0];
	[tilespmem:s16+$0xF0] =	vst v8  }
0x4b: {  	v40 =	vshll.u32 v24, $0x1;
	vm0 =	vlt.s32 v24, $0x7B000;
	vm11 =	vnez.u8 v63;
	[tilespmem:$0x1FFA0] =	vst v1;
	v24 =	vld [tilespmem:s17+$0xE0]  }
0x4c: {  	[tilespmem:s16+$0x100] =	vst v9;
	v17 =	vsel vm11, v17, v20;
	v20 =	vld [tilespmem:$0x1FF70]  }
0x4d: {  	v1 =	vimm.s32 $0x0;
	v25 =	vld [tilespmem:s17+$0xF0];
	[tilespmem:s16+$0x110] =	vst v10  }
0x4e: {  	v42 =	vshll.u32 v26, $0x1;
	v1 =	vsel vm0, $0xFFFFFFFF, v1;
	vm0 =	vlt.s32 v26, $0x7B000;
	v26 =	vld [tilespmem:s17+$0x100];
	[tilespmem:s16+$0x120] =	vst v12  }
0x4f: {  	v27 =	vld [tilespmem:s17+$0x110];
	[tilespmem:s16+$0x130] =	vst v13  }
0x50: {  	v28 =	vld [tilespmem:s17+$0x120];
	[tilespmem:s16+$0x140] =	vst v14  }
0x51: {  	v18 =	vsel vm13, v29, v31;
	v29 =	vld [tilespmem:s17+$0x130];
	[tilespmem:s16+$0x150] =	vst v16  }
0x52: {  	v19 =	vsel vm14, v30, v32;
	v57 =	vadd.s32 $0xFFF0A001, v21;
	vm11 =	vnez.u8 v20;
	v30 =	vld [tilespmem:s17+$0x140]  }
0x53: {  	[tilespmem:s16+$0x160] =	vst v18;
	v20 =	vsel vm11, v21, v57;
	v21 =	vld [tilespmem:$0x1FF80]  }
0x54: {  	v31 =	vld [tilespmem:s17+$0x150];
	[tilespmem:s16+$0x170] =	vst v19;
	s16 =	smov.u32 s17  }
0x55: {  	[tilespmem:s16+$0x0] =	vst v17;
	v17 =	vld [tilespmem:$0x1FF90];
	_ =	sdelay $0x1  }
0x56: {  	v59 =	vadd.s32 $0xFFF0A001, v58  }
0x57: {  	v61 =	vadd.s32 $0xFFF0A001, v60;
	v39 =	vadd.s32 $0xFFF0A001, v38;
	v41 =	vadd.s32 $0xFFF0A001, v40  }
0x58: {  	v43 =	vadd.s32 $0xFFF0A001, v42;
	v44 =	vshll.u32 v0, $0x1;
	vm11 =	vnez.u8 v21  }
0x59: {  	v46 =	vshll.u32 v3, $0x1;
	v35 =	vsel vm11, v58, v59;
	vm11 =	vnez.u8 v17;
	v17 =	vld [tilespmem:$0x1FFA0]  }
0x5a: {  	v45 =	vadd.s32 $0xFFF0A001, v44;
	v47 =	vadd.s32 $0xFFF0A001, v46;
	[tilespmem:$0x1FFB0] =	vst v1;
	v1 =	vimm.s32 $0x0  }
0x5b: {  	vm1 =	vlt.s32 v11, $0x7B000;
	vm2 =	vlt.s32 v15, $0x7B000;
	v1 =	vsel vm0, $0xFFFFFFFF, v1  }
0x5c: {  	vm0 =	vlt.s32 v0, $0x7B000;
	v0 =	vimm.s32 $0x0;
	v5 =	vshll.u32 v22, $0x1  }
0x5d: {  	vm3 =	vlt.s32 v22, $0x7B000;
	v0 =	vsel vm0, $0xFFFFFFFF, v0;
	vm0 =	vlt.s32 v3, $0x7B000  }
0x5e: {  	[tilespmem:$0x1FFC0] =	vst v1;
	v1 =	vimm.s32 $0x0;
	v36 =	vsel vm11, v60, v61;
	vm11 =	vnez.u8 v17;
	v17 =	vld [tilespmem:$0x1FFB0]  }
0x5f: {  	v3 =	vshll.u32 v15, $0x1;
	v8 =	vshll.u32 v23, $0x1;
	vm4 =	vlt.s32 v23, $0x7B000  }
0x60: {  	[tilespmem:$0x1FFD0] =	vst v0;
	v0 =	vshll.u32 v7, $0x1;
	v1 =	vsel vm0, $0xFFFFFFFF, v1;
	vm0 =	vlt.s32 v7, $0x7B000  }
0x61: {  	v6 =	vadd.s32 $0xFFF0A001, v3;
	v7 =	vadd.s32 $0xFFF0A001, v5;
	v10 =	vadd.s32 $0xFFF0A001, v8  }
0x62: {  	v9 =	vshll.u32 v24, $0x1;
	vm5 =	vlt.s32 v24, $0x7B000;
	v2 =	vadd.s32 $0xFFF0A001, v0  }
0x63: {  	[tilespmem:$0x1FFE0] =	vst v1;
	v1 =	vshll.u32 v11, $0x1;
	v34 =	vsel vm11, v38, v39;
	vm11 =	vnez.u8 v17;
	v17 =	vld [tilespmem:$0x1FFC0]  }
0x64: {  	v12 =	vadd.s32 $0xFFF0A001, v9;
	v11 =	vshll.u32 v25, $0x1;
	vm6 =	vlt.s32 v25, $0x7B000  }
0x65: {  	v4 =	vadd.s32 $0xFFF0A001, v1;
	v13 =	vadd.s32 $0xFFF0A001, v11;
	v14 =	vshll.u32 v26, $0x1  }
0x66: {  	vm7 =	vlt.s32 v26, $0x7B000;
	v16 =	vadd.s32 $0xFFF0A001, v14;
	v15 =	vshll.u32 v27, $0x1;
	v62 =	vld [tilespmem:s16+$0x160]  }
0x67: {  	v48 =	vld [tilespmem:s16+$0x170];
	vm8 =	vlt.s32 v27, $0x7B000;
	v19 =	vadd.s32 $0xFFF0A001, v15;
	v18 =	vshll.u32 v28, $0x1  }
0x68: {  	vm10 =	vlt.s32 v28, $0x7B000;
	v21 =	vsel vm11, v40, v41;
	vm11 =	vnez.u8 v17;
	v17 =	vld [tilespmem:$0x1FFD0]  }
0x69: {  	[tilespmem:s16+$0x10] =	vst v20;
	v20 =	vld [tilespmem:$0x1FFE0];
	v22 =	vadd.s32 $0xFFF0A001, v18;
	v23 =	vshll.u32 v29, $0x1;
	vm12 =	vlt.s32 v29, $0x7B000  }
0x6a: {  	p0 =	sne.s32 s18, $0x189C0;
	v25 =	vadd.s32 $0xFFF0A001, v23;
	v24 =	vshll.u32 v30, $0x1;
	vm15 =	vlt.s32 v30, $0x7B000  }
.Ltmp0:
0x6b: {  	v27 =	vadd.s32 $0xFFF0A001, v24;
	v26 =	vshll.u32 v31, $0x1;
	vm9 =	vlt.s32 v31, $0x7B000;
	(pc) =	sbr.rel @p0 .LBB2_2-.Ltmp0, $4  }
0x6c: {  	v28 =	vadd.s32 $0xFFF0A001, v26;
	v29 =	vshll.u32 v62, $0x1;
	v30 =	vshll.u32 v48, $0x1  }
0x6d: {  	vm13 =	vlt.s32 v62, $0x7B000;
	v33 =	vsel vm11, v42, v43;
	vm11 =	vnez.u8 v17  }
0x6e: {  	vm14 =	vlt.s32 v48, $0x7B000;
	v17 =	vsel vm11, v44, v45;
	vm11 =	vnez.u8 v20  }
0x6f: {  	s17 =	sshra.s32 s18, $0x2;
	s18 =	sadd.s32 $0x640, s18;
	v31 =	vadd.s32 $0xFFF0A001, v29;
	v32 =	vadd.s32 $0xFFF0A001, v30;
	v20 =	vsel vm11, v46, v47  }
0x70: {  	[tilespmem:s16+$0x20] =	vst v35  }
0x71: {  	[tilespmem:s16+$0x30] =	vst v36  }
0x72: {  	[tilespmem:s16+$0x40] =	vst v34  }
0x73: {  	v37 =	vld [tilespmem:s17+$0x180];
	[tilespmem:s16+$0x50] =	vst v21  }
0x74: {  	v38 =	vld [tilespmem:s17+$0x0];
	[tilespmem:s16+$0x60] =	vst v33  }
0x75: {  	v39 =	vld [tilespmem:s17+$0x10];
	[tilespmem:s16+$0x70] =	vst v17  }
0x76: {  	v52 =	vld [tilespmem:s17+$0x20];
	v0 =	vsel vm0, v0, v2;
	[tilespmem:s16+$0x80] =	vst v20  }
0x77: {  	v36 =	vld [tilespmem:s17+$0x30];
	v1 =	vsel vm1, v1, v4;
	v3 =	vsel vm2, v3, v6;
	[tilespmem:s16+$0x90] =	vst v0  }
0x78: {  	v34 =	vld [tilespmem:s17+$0x40];
	v55 =	vsel vm3, v5, v7;
	v56 =	vsel vm4, v8, v10;
	v57 =	vsel vm5, v9, v12;
	[tilespmem:s16+$0xA0] =	vst v1  }
0x79: {  	v40 =	vld [tilespmem:s17+$0x50];
	v58 =	vsel vm6, v11, v13;
	v59 =	vsel vm7, v14, v16;
	v60 =	vsel vm8, v15, v19;
	[tilespmem:s16+$0xB0] =	vst v3  }
0x7a: {  	v17 =	vld [tilespmem:s17+$0x70];
	v61 =	vsel vm10, v18, v22;
	v62 =	vsel vm12, v23, v25;
	v63 =	vsel vm15, v24, v27;
	[tilespmem:s16+$0xC0] =	vst v55  }
0x7b: {  	v2 =	vld [tilespmem:s17+$0x80];
	v28 =	vsel vm9, v26, v28;
	v31 =	vsel vm13, v29, v31;
	v32 =	vsel vm14, v30, v32;
	[tilespmem:s16+$0xD0] =	vst v56  }
0x7c: {  	v4 =	vld [tilespmem:s17+$0xC0];
	[tilespmem:s16+$0xE0] =	vst v57;
	v53 =	vshll.u32 v37, $0x1;
	vm11 =	vlt.s32 v37, $0x7B000;
	v33 =	vshll.u32 v38, $0x1  }
0x7d: {  	v42 =	vld [tilespmem:s17+$0xE0];
	[tilespmem:s16+$0xF0] =	vst v58;
	v41 =	vshll.u32 v39, $0x1;
	vm4 =	vlt.s32 v38, $0x7B000;
	v46 =	vshll.u32 v52, $0x1  }
0x7e: {  	[tilespmem:s16+$0x100] =	vst v59;
	vm5 =	vlt.s32 v39, $0x7B000;
	v49 =	vshll.u32 v36, $0x1;
	vm6 =	vlt.s32 v52, $0x7B000  }
0x7f: {  	v0 =	vld [tilespmem:s17+$0x90];
	[tilespmem:s16+$0x110] =	vst v60;
	v52 =	vshll.u32 v34, $0x1;
	vm7 =	vlt.s32 v36, $0x7B000;
	v56 =	vshll.u32 v40, $0x1  }
0x80: {  	v1 =	vld [tilespmem:s17+$0xA0];
	[tilespmem:s16+$0x120] =	vst v61;
	vm8 =	vlt.s32 v34, $0x7B000;
	vm9 =	vlt.s32 v40, $0x7B000;
	v60 =	vshll.u32 v17, $0x1  }
0x81: {  	[tilespmem:s16+$0x130] =	vst v62;
	v62 =	vshll.u32 v2, $0x1;
	vm12 =	vlt.s32 v2, $0x7B000;
	v35 =	vshll.u32 v4, $0x1  }
0x82: {  	v3 =	vld [tilespmem:s17+$0xB0];
	[tilespmem:s16+$0x140] =	vst v63;
	v39 =	vshll.u32 v42, $0x1;
	v54 =	vadd.s32 $0xFFF0A001, v53;
	v43 =	vadd.s32 $0xFFF0A001, v33  }
0x83: {  	[tilespmem:s16+$0x150] =	vst v28;
	v44 =	vadd.s32 $0xFFF0A001, v41;
	v48 =	vadd.s32 $0xFFF0A001, v46;
	v51 =	vadd.s32 $0xFFF0A001, v49  }
0x84: {  	[tilespmem:s16+$0x160] =	vst v31;
	v57 =	vadd.s32 $0xFFF0A001, v56;
	v61 =	vadd.s32 $0xFFF0A001, v60;
	v63 =	vadd.s32 $0xFFF0A001, v62  }
0x85: {  	v5 =	vld [tilespmem:s17+$0xD0];
	[tilespmem:s16+$0x170] =	vst v32;
	v28 =	vshll.u32 v0, $0x1;
	v31 =	vshll.u32 v1, $0x1;
	v21 =	vsel vm11, v53, v54  }
0x86: {  	v45 =	vld [tilespmem:s17+$0xF0];
	vm13 =	vlt.s32 v0, $0x7B000;
	vm14 =	vlt.s32 v1, $0x7B000;
	v16 =	vsel vm4, v33, v43;
	[tilespmem:s17+$0x180] =	vst v21  }
0x87: {  	v47 =	vld [tilespmem:s17+$0x100];
	vm15 =	vlt.s32 v3, $0x7B000;
	v36 =	vadd.s32 $0xFFF0A001, v35;
	v18 =	vsel vm5, v41, v44;
	[tilespmem:s17+$0x0] =	vst v16  }
0x88: {  	v50 =	vld [tilespmem:s17+$0x110];
	v40 =	vadd.s32 $0xFFF0A001, v39;
	v19 =	vsel vm6, v46, v48;
	v54 =	vadd.s32 $0xFFF0A001, v52;
	[tilespmem:s17+$0x10] =	vst v18  }
0x89: {  	v13 =	vld [tilespmem:s17+$0x150];
	v20 =	vsel vm7, v49, v51;
	v22 =	vsel vm9, v56, v57;
	vm11 =	vlt.s32 v17, $0x7B000;
	[tilespmem:s17+$0x20] =	vst v19  }
0x8a: {  	v55 =	vld [tilespmem:s17+$0x130];
	v30 =	vadd.s32 $0xFFF0A001, v28;
	v32 =	vadd.s32 $0xFFF0A001, v31;
	v33 =	vshll.u32 v3, $0x1;
	[tilespmem:s17+$0x30] =	vst v20  }
0x8b: {  	vm4 =	vlt.s32 v4, $0x7B000;
	vm5 =	vlt.s32 v5, $0x7B000;
	v21 =	vsel vm8, v52, v54;
	[tilespmem:s17+$0x50] =	vst v22  }
0x8c: {  	v41 =	vshll.u32 v45, $0x1;
	vm6 =	vlt.s32 v42, $0x7B000;
	v29 =	vsel vm11, v60, v61;
	[tilespmem:s17+$0x40] =	vst v21  }
0x8d: {  	v43 =	vshll.u32 v47, $0x1;
	vm7 =	vlt.s32 v45, $0x7B000;
	v16 =	vsel vm12, v62, v63;
	[tilespmem:s17+$0x70] =	vst v29  }
0x8e: {  	v12 =	vld [tilespmem:s17+$0x140];
	v46 =	vshll.u32 v50, $0x1;
	vm9 =	vlt.s32 v50, $0x7B000;
	v2 =	vsel vm13, v28, v30;
	[tilespmem:s17+$0x80] =	vst v16  }
0x8f: {  	v15 =	vld [tilespmem:s17+$0x170];
	v50 =	vshll.u32 v55, $0x1;
	v56 =	vshll.u32 v13, $0x1;
	v0 =	vsel vm14, v31, v32;
	[tilespmem:s17+$0x90] =	vst v2  }
0x90: {  	v37 =	vld [tilespmem:s17+$0x60];
	v34 =	vadd.s32 $0xFFF0A001, v33;
	v3 =	vsel vm4, v35, v36;
	v42 =	vadd.s32 $0xFFF0A001, v41;
	[tilespmem:s17+$0xA0] =	vst v0  }
0x91: {  	v44 =	vsel vm6, v39, v40;
	v45 =	vadd.s32 $0xFFF0A001, v43;
	vm8 =	vlt.s32 v47, $0x7B000;
	[tilespmem:s17+$0xC0] =	vst v3  }
0x92: {  	v47 =	vadd.s32 $0xFFF0A001, v46;
	v52 =	vadd.s32 $0xFFF0A001, v50;
	v1 =	vsel vm15, v33, v34;
	[tilespmem:s17+$0xE0] =	vst v44  }
0x93: {  	vm11 =	vlt.s32 v55, $0x7B000;
	vm12 =	vlt.s32 v12, $0x7B000;
	v2 =	vsel vm7, v41, v42;
	[tilespmem:s17+$0xB0] =	vst v1  }
0x94: {  	v53 =	vld [tilespmem:s17+$0x120];
	v57 =	vadd.s32 $0xFFF0A001, v56;
	vm13 =	vlt.s32 v13, $0x7B000;
	v51 =	vsel vm9, v46, v47;
	[tilespmem:s17+$0xF0] =	vst v2  }
0x95: {  	v60 =	vshll.u32 v15, $0x1;
	v0 =	vsel vm13, v56, v57;
	v58 =	vshll.u32 v37, $0x1;
	[tilespmem:s17+$0x110] =	vst v51  }
0x96: {  	v14 =	vld [tilespmem:s17+$0x160];
	vm10 =	vlt.s32 v37, $0x7B000;
	v37 =	vshll.u32 v5, $0x1;
	v5 =	vsel vm8, v43, v45;
	[tilespmem:s17+$0x150] =	vst v0  }
0x97: {  	vm15 =	vlt.s32 v15, $0x7B000;
	v62 =	vadd.s32 $0xFFF0A001, v60;
	v1 =	vsel vm11, v50, v52;
	[tilespmem:s17+$0x100] =	vst v5  }
0x98: {  	v63 =	vsel vm15, v60, v62;
	v59 =	vadd.s32 $0xFFF0A001, v58;
	v38 =	vadd.s32 $0xFFF0A001, v37;
	[tilespmem:s17+$0x130] =	vst v1  }
0x99: {  	[tilespmem:s17+$0x170] =	vst v63;
	v23 =	vsel vm10, v58, v59;
	v4 =	vsel vm5, v37, v38;
	v48 =	vshll.u32 v53, $0x1  }
0x9a: {  	vm10 =	vlt.s32 v53, $0x7B000;
	v53 =	vshll.u32 v12, $0x1;
	[tilespmem:s17+$0x60] =	vst v23;
	v49 =	vadd.s32 $0xFFF0A001, v48  }
0x9b: {  	v58 =	vshll.u32 v14, $0x1;
	[tilespmem:s17+$0xD0] =	vst v4;
	v55 =	vadd.s32 $0xFFF0A001, v53;
	v54 =	vsel vm10, v48, v49  }
0x9c: {  	vm14 =	vlt.s32 v14, $0x7B000;
	v59 =	vadd.s32 $0xFFF0A001, v58;
	v2 =	vsel vm12, v53, v55;
	[tilespmem:s17+$0x120] =	vst v54  }
0x9d: {  	v61 =	vsel vm14, v58, v59;
	[tilespmem:s17+$0x140] =	vst v2  }
0x9e: {  	s16 =	simm.s32 $0x0;
	[tilespmem:s17+$0x160] =	vst v61  }
0x9f: {  	[tilespmem:s9], [sflag:$0x1] =	stream.indirect.gather [hbm4b:s3+s8], $0x40, s16, s8, $0xb8;
	[tilespmem:$0x13000] =	vst v63  }
.LBB2_4:
0xa0: {  	s17 =	sshllo.u32 s16, $0x1  }
0xa1: {  	s18 =	smul.u32 $0x640, s17;
	_ =	sdelay $0x1  }
0xa2: {  	s18 =	sshra.s32 s18, $0x2  }
0xa3: {  	[tilespmem:s10], [sflag:$0x2] =	stream.indirect.gather [hbm4b:s3+s8], $0x40, s18, s8, $0xb8;
	[tilespmem:$0x13000] =	vst v63  }
0xa4: {  	_ =	swait.ge [sflag:s11], $0x6400  }
0xa5: {  	[sflag:s11] =	ssyncset.done $0x0  }
0xa6: {  	s19 =	simm.s32 $0x0;
	s18 =	simm.s32 $0x6400;
	[sflag:s11] =	ssyncadd.s32 $0xFFFF9C00  }
.LBB2_5:
0xa7: {  	s20 =	smul.u32 $0x3200, s19;
	_ =	sdelay $0x1  }
0xa8: {  	v5 =	vmov s18;
	s20 =	sshra.s32 s20, $0x2  }
0xa9: {  	v4 =	vld [tilespmem:s20+$0x6400]  }
0xaa: {  	v2 =	vld [tilespmem:s20+$0x6410]  }
0xab: {  	v1 =	vld [tilespmem:s20+$0x6420]  }
0xac: {  	s21 =	simm.s32 $0x70;
	v0 =	vld [tilespmem:s20+$0x6430]  }
0xad: {  	v3 =	vld.idx.msk [tilespmem:v5+s21+$0x0 ss:$0x1], $0xffff  }
0xae: {  	v8 =	vld.idx.msk [tilespmem:v5+s21+$0xFFFFFFD0 ss:$0x1], $0xffff  }
0xaf: {  	v6 =	vld.idx.msk [tilespmem:v5+s21+$0xFFFFFFE0 ss:$0x1], $0xffff  }
0xb0: {  	s20 =	simm.s32 $0x2C0;
	v7 =	vld.idx.msk [tilespmem:v5+s21+$0xFFFFFFF0 ss:$0x1], $0xffff  }
.LBB2_6:
0xb1: {  	p0 =	sne.s32 s20, $0x31C0  }
.Ltmp1:
0xb2: {  	s21 =	sshra.s32 s20, $0x2;
	s20 =	sadd.s32 $0x100, s20;
	(pc) =	sbr.rel @p0 .LBB2_6-.Ltmp1, $4  }
0xb3: {  	v0 =	vadd.f32 v3, v0;
	v3 =	vld.idx.msk [tilespmem:v5+s21+$0x0 ss:$0x1], $0xffff  }
0xb4: {  	v4 =	vadd.f32 v8, v4;
	v8 =	vld.idx.msk [tilespmem:v5+s21+$0xFFFFFFD0 ss:$0x1], $0xffff  }
0xb5: {  	v2 =	vadd.f32 v6, v2;
	v6 =	vld.idx.msk [tilespmem:v5+s21+$0xFFFFFFE0 ss:$0x1], $0xffff  }
0xb6: {  	v1 =	vadd.f32 v7, v1;
	v7 =	vld.idx.msk [tilespmem:v5+s21+$0xFFFFFFF0 ss:$0x1], $0xffff  }
0xb7: {  	s20 =	sshll.u32 s19, $0x6;
	s19 =	sadd.s32 $0x1, s19  }
0xb8: {  	v0 =	vadd.f32 v3, v0;
	p0 =	sne.s32 s19, $0x8  }
.Ltmp2:
0xb9: {  	s20 =	sand.u32 $0x3FFFFFC0, s20;
	v4 =	vadd.f32 v8, v4;
	(pc) =	sbr.rel @p0 .LBB2_5-.Ltmp2, $4  }
0xba: {  	v2 =	vadd.f32 v6, v2;
	[tilespmem:s20+$0x12C30] =	vst v0  }
0xbb: {  	v1 =	vadd.f32 v7, v1;
	[tilespmem:s20+$0x12C00] =	vst v4  }
0xbc: {  	[tilespmem:s20+$0x12C10] =	vst v2  }
0xbd: {  	s18 =	sadd.s32 $0xC80, s18;
	[tilespmem:s20+$0x12C20] =	vst v1  }
0xbe: {  	s18 =	sshll.u32 s16, $0x7  }
0xbf: {  	p0 =	seq.s32 s16, $0x1F;
	s18 =	sadd.s32 s18, s5  }
0xc0: {  	[hbm4b:s18+s2] =	stream.linear.scatter [tilespmem:s12], [sflag:$0x3], $0x200, $0x38;
	[tilespmem:$0x13000] =	vst v63  }
0xc1: {  	s18 =	smul.u32 @!p0 $0xC80, s16  }
0xc2: {  	_ =	swait.ge [sflag:s7], $0x200  }
0xc3: {  	s19 =	simm.s32 @!p0 $0x190;
	[sflag:s7] =	ssyncset.done $0x0;
	s18 =	sshra.s32 @!p0 s18, $0x2  }
0xc4: {  	s20 =	simm.s32 @!p0 $0x6400;
	[sflag:s7] =	ssyncadd.s32 $0xFFFFFE00;
	s18 =	sadd.s32 @!p0 $0x320, s18  }
0xc5: {  	[tilespmem:s20], [sflag:$0x1] =	stream.indirect.gather @!p0 [hbm4b:s3+s19], $0x40, s18, s19, $0xb8;
	[tilespmem:$0x13000] =	vst v63  }
0xc6: {  	_ =	swait.ge [sflag:s13], $0x6400  }
0xc7: {  	[sflag:s13] =	ssyncset.done $0x0  }
0xc8: {  	s18 =	simm.s32 $0x0;
	s19 =	simm.s32 $0x6400;
	[sflag:s13] =	ssyncadd.s32 $0xFFFF9C00  }
.LBB2_9:
0xc9: {  	s20 =	smul.u32 $0x3200, s18;
	_ =	sdelay $0x1  }
0xca: {  	v5 =	vmov s19;
	s20 =	sshra.s32 s20, $0x2  }
0xcb: {  	v4 =	vld [tilespmem:s20+$0xC800]  }
0xcc: {  	v2 =	vld [tilespmem:s20+$0xC810]  }
0xcd: {  	v1 =	vld [tilespmem:s20+$0xC820]  }
0xce: {  	s21 =	simm.s32 $0x0;
	v0 =	vld [tilespmem:s20+$0xC830]  }
0xcf: {  	v3 =	vld.idx.msk [tilespmem:v5+s21+$0x6470 ss:$0x1], $0xffff  }
0xd0: {  	v8 =	vld.idx.msk [tilespmem:v5+s21+$0x6440 ss:$0x1], $0xffff  }
0xd1: {  	v6 =	vld.idx.msk [tilespmem:v5+s21+$0x6450 ss:$0x1], $0xffff  }
0xd2: {  	s20 =	simm.s32 $0x100;
	v7 =	vld.idx.msk [tilespmem:v5+s21+$0x6460 ss:$0x1], $0xffff  }
.LBB2_10:
0xd3: {  	p0 =	sne.s32 s20, $0x3000  }
.Ltmp3:
0xd4: {  	s21 =	sshra.s32 s20, $0x2;
	s20 =	sadd.s32 $0x100, s20;
	(pc) =	sbr.rel @p0 .LBB2_10-.Ltmp3, $4  }
0xd5: {  	v0 =	vadd.f32 v3, v0;
	v3 =	vld.idx.msk [tilespmem:v5+s21+$0x6470 ss:$0x1], $0xffff  }
0xd6: {  	v4 =	vadd.f32 v8, v4;
	v8 =	vld.idx.msk [tilespmem:v5+s21+$0x6440 ss:$0x1], $0xffff  }
0xd7: {  	v2 =	vadd.f32 v6, v2;
	v6 =	vld.idx.msk [tilespmem:v5+s21+$0x6450 ss:$0x1], $0xffff  }
0xd8: {  	v1 =	vadd.f32 v7, v1;
	v7 =	vld.idx.msk [tilespmem:v5+s21+$0x6460 ss:$0x1], $0xffff  }
0xd9: {  	s20 =	sshll.u32 s18, $0x6;
	s18 =	sadd.s32 $0x1, s18  }
0xda: {  	v0 =	vadd.f32 v3, v0;
	p0 =	sne.s32 s18, $0x8  }
.Ltmp4:
0xdb: {  	s20 =	sand.u32 $0x3FFFFFC0, s20;
	v4 =	vadd.f32 v8, v4;
	(pc) =	sbr.rel @p0 .LBB2_9-.Ltmp4, $4  }
0xdc: {  	v2 =	vadd.f32 v6, v2;
	[tilespmem:s20+$0x12E30] =	vst v0  }
0xdd: {  	v1 =	vadd.f32 v7, v1;
	[tilespmem:s20+$0x12E00] =	vst v4  }
0xde: {  	[tilespmem:s20+$0x12E10] =	vst v2  }
0xdf: {  	s19 =	sadd.s32 $0xC80, s19;
	[tilespmem:s20+$0x12E20] =	vst v1  }
0xe0: {  	s16 =	sadd.s32 $0x1, s16  }
0xe1: {  	s17 =	sshll.u32 s17, $0x6;
	p0 =	sne.s32 s16, $0x20  }
.Ltmp5:
0xe2: {  	s17 =	sadd.s32 s17, s5;
	(pc) =	sbr.rel @p0 .LBB2_4-.Ltmp5, $4  }
0xe3: {  	[hbm4b:s17+s2] =	stream.linear.scatter [tilespmem:s14], [sflag:$0x3], $0x200, $0x38;
	[tilespmem:$0x13000] =	vst v63  }
0xe4: {  	_ =	swait.ge [sflag:s7], $0x200  }
0xe5: {  	[sflag:s7] =	ssyncset.done $0x0  }
0xe6: {  	[sflag:s7] =	ssyncadd.s32 $0xFFFFFE00  }
0xe7: {  	s15 =	sadd.s32 $0x1, s15  }
0xe8: {  	p0 =	sne.s32 s15, s6  }
.Ltmp6:
0xe9: {  	_ = 	snop;
	(pc) =	sbr.rel @p0 .LBB2_1-.Ltmp6, $1  }
0xea: {  	_ =	sdelay $0x3  }
0xeb: {  	_ =	sfence.sel $0x180000  }
0xec: {  	[bflag:$0x0] =	sbarrier.arrive $0xFFFF  }
0xed: {  	p0 =	sne.s32 s1, $0x0;
	_ =	strace $0x90000047  }
0xee: {  	s0 =	sadd.s32 @!p0 $0x100000, s0;
	[bflag:$0x2] =	sbarrier.arrive $0xFFFF  }
0xef: {  	[sflag:s0] =	ssyncadd.tile.s32 @!p0 $0x1;
	_ =	shalt  }
.Lfunc_end2:
_tile_overlayer_lowered:
.L_overlay_start_2:
0xf0: {  	(tag) =	ssettag $0x2  }
0xf1: {  	s0 =	rddreg [dreg:$0x0];
	s2 =	stileid.u32  }
0xf2: {  	s1 =	rddreg [dreg:$0x1];
	p0 =	sne.s32 s2, $0x0  }
0xf3: {  	s3 =	rddreg [dreg:$0x2];
	[bflag:$0x3] =	sbarrier.arrive $0xFFFF;
	s2 =	simm.s32 @!p0 $0x1C03  }
0xf4: {  	[timem:s3], [sflag:s2] =	dma.local @!p0 [hbm:s0], s1  }
0xf5: {  	s0 =	simm.s32 @!p0 $0x3  }
0xf6: {  	_ =	swait.ge @!p0 [sflag:s0], s1  }
0xf7: {  	s1 =	ssub.s32 @!p0 $0x0, s1;
	[sflag:s0] =	ssyncset.done @!p0 $0x0  }
0xf8: {  	[sflag:s0] =	ssyncadd.s32 @!p0 s1  }
0xf9: {  	[bflag:$0x3] =	sbarrier.arrive $0xFFFF  }
0xfa: {  	_ =	shalt  }

</sc_bundles>
